<compile_context>
chip_gen: v7x
topology: tpu7x:2x2x1
jax: 0.10.2.dev20260603
libtpu: 0.0.44.dev20260713+nightly
codegen_flags: <defaults>
</compile_context>

<pallas_src>
import functools

import jax
import jax.numpy as jnp
from jax import lax
from jax.experimental import pallas as pl
from jax.experimental.pallas import tpu as pltpu
from jax.experimental.pallas import tpu_sc as plsc

NC = 2
NS = 16
L = 16
NW = NC * NS
DIM = 128
NJ = DIM // L
EPS2 = 1e-24
CH = 64


@functools.partial(jax.jit, static_argnames=("B",))
def _transh_sc(cols, ent_embs, rel_d_embs, rel_w_embs, *, B):
    per_w = B // NW
    n_chunks = per_w // CH
    n_pairs = n_chunks // 2

    mesh = plsc.VectorSubcoreMesh(
        core_axis_name="c", subcore_axis_name="s", num_cores=NC, num_subcores=NS
    )
    out_type = (
        jax.ShapeDtypeStruct((B, DIM), jnp.float32),
        jax.ShapeDtypeStruct((B, DIM), jnp.float32),
        jax.ShapeDtypeStruct((B, DIM), jnp.float32),
    )
    row_buf = pltpu.VMEM((CH, DIM), jnp.float32)

    @functools.partial(
        pl.kernel,
        out_type=out_type,
        mesh=mesh,
        compiler_params=pltpu.CompilerParams(needs_layout_passes=False),
        scratch_types=[
            pltpu.VMEM((n_chunks, CH), jnp.int32),
            pltpu.VMEM((n_chunks, CH), jnp.int32),
            pltpu.VMEM((n_chunks, CH), jnp.int32),
            [row_buf] * 4,
            [row_buf] * 4,
            [pltpu.SemaphoreType.DMA] * 2,
            [pltpu.SemaphoreType.DMA] * 2,
        ],
    )
    def k(cols_hbm, ent_hbm, reld_hbm, relw_hbm,
          ho_hbm, ro_hbm, to_hbm,
          hi_v, ri_v, ti_v, buf0, buf1, gsems, wsems):
        wid = lax.axis_index("s") * NC + lax.axis_index("c")
        cp_i0 = pltpu.async_copy(cols_hbm.at[0, pl.ds(wid * n_chunks, n_chunks)], hi_v, gsems[0])
        cp_i1 = pltpu.async_copy(cols_hbm.at[1, pl.ds(wid * n_chunks, n_chunks)], ri_v, gsems[0])
        cp_i2 = pltpu.async_copy(cols_hbm.at[2, pl.ds(wid * n_chunks, n_chunks)], ti_v, gsems[0])
        cp_i0.wait()
        cp_i1.wait()
        cp_i2.wait()
        bufs = (buf0, buf1)

        def fire_gathers(c, p):
            h_v, d_v, t_v, w_v = bufs[p]
            pltpu.async_copy(ent_hbm.at[hi_v.at[c]], h_v, gsems[p])
            pltpu.async_copy(reld_hbm.at[ri_v.at[c]], d_v, gsems[p])
            pltpu.async_copy(ent_hbm.at[ti_v.at[c]], t_v, gsems[p])
            pltpu.async_copy(relw_hbm.at[ri_v.at[c]], w_v, gsems[p])

        def wait_gathers(p):
            h_v, d_v, t_v, w_v = bufs[p]
            pltpu.make_async_copy(ent_hbm.at[hi_v.at[0]], h_v, gsems[p]).wait()
            pltpu.make_async_copy(reld_hbm.at[ri_v.at[0]], d_v, gsems[p]).wait()
            pltpu.make_async_copy(ent_hbm.at[ti_v.at[0]], t_v, gsems[p]).wait()
            pltpu.make_async_copy(relw_hbm.at[ri_v.at[0]], w_v, gsems[p]).wait()

        def fire_writeback(c, p):
            h_v, d_v, t_v, _ = bufs[p]
            base = wid * per_w + c * CH
            pltpu.async_copy(h_v, ho_hbm.at[pl.ds(base, CH)], wsems[p])
            pltpu.async_copy(d_v, ro_hbm.at[pl.ds(base, CH)], wsems[p])
            pltpu.async_copy(t_v, to_hbm.at[pl.ds(base, CH)], wsems[p])

        def wait_writeback(p):
            h_v, d_v, t_v, _ = bufs[p]
            pltpu.make_async_copy(h_v, ho_hbm.at[pl.ds(0, CH)], wsems[p]).wait()
            pltpu.make_async_copy(d_v, ro_hbm.at[pl.ds(0, CH)], wsems[p]).wait()
            pltpu.make_async_copy(t_v, to_hbm.at[pl.ds(0, CH)], wsems[p]).wait()

        def compute(p):
            h_v, d_v, t_v, w_v = bufs[p]

            def row(i, _):
                wj = [w_v[i, pl.ds(j * L, L)] for j in range(NJ)]
                hj = [h_v[i, pl.ds(j * L, L)] for j in range(NJ)]
                dj = [d_v[i, pl.ds(j * L, L)] for j in range(NJ)]
                tj = [t_v[i, pl.ds(j * L, L)] for j in range(NJ)]
                a_ww = wj[0] * wj[0]
                a_hw = hj[0] * wj[0]
                a_dw = dj[0] * wj[0]
                a_tw = tj[0] * wj[0]
                for j in range(1, NJ):
                    a_ww = a_ww + wj[j] * wj[j]
                    a_hw = a_hw + hj[j] * wj[j]
                    a_dw = a_dw + dj[j] * wj[j]
                    a_tw = a_tw + tj[j] * wj[j]
                ww = jnp.broadcast_to(jnp.sum(a_ww), (L,))
                inv = 1.0 / jnp.maximum(ww, EPS2)
                c_h = jnp.broadcast_to(jnp.sum(a_hw), (L,)) * inv
                c_d = jnp.broadcast_to(jnp.sum(a_dw), (L,)) * inv
                c_t = jnp.broadcast_to(jnp.sum(a_tw), (L,)) * inv
                for j in range(NJ):
                    h_v[i, pl.ds(j * L, L)] = hj[j] - c_h * wj[j]
                    d_v[i, pl.ds(j * L, L)] = dj[j] - c_d * wj[j]
                    t_v[i, pl.ds(j * L, L)] = tj[j] - c_t * wj[j]
                return 0

            lax.fori_loop(0, CH, row, 0)

        fire_gathers(0, 0)

        def pair(pk, _):
            c0 = pk * 2

            @pl.when(pk > 0)
            def _():
                wait_writeback(1)
            fire_gathers(c0 + 1, 1)
            wait_gathers(0)
            compute(0)
            fire_writeback(c0, 0)

            @pl.when(pk + 1 < n_pairs)
            def _():
                wait_writeback(0)
                fire_gathers(c0 + 2, 0)
            wait_gathers(1)
            compute(1)
            fire_writeback(c0 + 1, 1)
            return 0

        lax.fori_loop(0, n_pairs, pair, 0)
        wait_writeback(0)
        wait_writeback(1)

    return k(cols, ent_embs, rel_d_embs, rel_w_embs)


def kernel(triplets, ent_embs, rel_d_embs, rel_w_embs):
    B = triplets.shape[0]
    cols = triplets.astype(jnp.int32).T.reshape(3, B // CH, CH)
    return _transh_sc(cols,
                      ent_embs.astype(jnp.float32),
                      rel_d_embs.astype(jnp.float32),
                      rel_w_embs.astype(jnp.float32), B=B)

# --- scband reference (transcript-rebuilt; emitter-appended) ---
"""Pipeline reference for scband-trans-h-76020921140303 (READ-ONLY COPY).

The authoritative reference and input builder live on the scoring server;
editing this copy changes nothing except your own understanding.
"""

import jax, jax.numpy as jnp
import numpy as np

N_ENT = 99999
N_REL = 99999
DIM = 128
BATCH = 16384


def _normalize(x, eps=1e-12):
    # matches torch F.normalize(p=2, dim=-1): x / max(||x||, eps)
    n = jnp.linalg.norm(x, ord=2, axis=-1, keepdims=True)
    return x / jnp.maximum(n, eps)


def _project(entity_emb, norm_vector):
    norm_vector = _normalize(norm_vector)
    return entity_emb - jnp.sum(entity_emb * norm_vector, axis=-1, keepdims=True) * norm_vector


def setup_inputs(seed: int = 0) -> dict:
    key = jax.random.key(seed)
    k1, k2, k3, k4 = jax.random.split(key, 4)
    bound = 6.0 / np.sqrt(DIM)
    ent_embs = jax.random.uniform(k1, (N_ENT + 1, DIM), minval=-bound, maxval=bound, dtype=jnp.float32)
    rel_d_embs = jax.random.uniform(k2, (N_REL + 1, DIM), minval=-bound, maxval=bound, dtype=jnp.float32)
    rel_w_embs = jax.random.uniform(k3, (N_REL + 1, DIM), minval=-bound, maxval=bound, dtype=jnp.float32)
    triplets = jax.random.randint(k4, (BATCH, 3), 0, N_ENT + 1, dtype=jnp.int64 if jax.config.jax_enable_x64 else jnp.int32)
    return {"triplets": triplets, "ent_embs": ent_embs, "rel_d_embs": rel_d_embs, "rel_w_embs": rel_w_embs}


def reference(triplets, ent_embs, rel_d_embs, rel_w_embs):
    h = jnp.take(ent_embs, triplets[..., 0], axis=0)
    d = jnp.take(rel_d_embs, triplets[..., 1], axis=0)
    t = jnp.take(ent_embs, triplets[..., 2], axis=0)
    w = jnp.take(rel_w_embs, triplets[..., 1], axis=0)
    w_norm = _normalize(w)
    r_proj = d - jnp.sum(d * w_norm, axis=-1, keepdims=True) * w_norm
    h_proj = _project(h, w_norm)
    t_proj = _project(t, w_norm)
    return (h_proj, r_proj, t_proj)

if __name__ == "__main__":
    import jax
    _d = setup_inputs()
    print(jax.jit(kernel)(*tuple(_d.values())))

</pallas_src>

<mosaic_0001>
#map = affine_map<(d0, d1) -> (0, 0, 0)>
#map1 = affine_map<(d0, d1) -> (0, 0)>
module attributes {stable_mosaic.version = 14 : i64} {
  func.func @k(%arg0: i32, %arg1: i32, %arg2: memref<3x256x64xi32, #tpu.memory_space<hbm>>, %arg3: memref<100000x128xf32, #tpu.memory_space<hbm>>, %arg4: memref<100000x128xf32, #tpu.memory_space<hbm>>, %arg5: memref<100000x128xf32, #tpu.memory_space<hbm>>, %arg6: memref<16384x128xf32, #tpu.memory_space<hbm>>, %arg7: memref<16384x128xf32, #tpu.memory_space<hbm>>, %arg8: memref<16384x128xf32, #tpu.memory_space<hbm>>, %arg9: memref<8x64xi32, #tpu.memory_space<vmem>>, %arg10: memref<8x64xi32, #tpu.memory_space<vmem>>, %arg11: memref<8x64xi32, #tpu.memory_space<vmem>>, %arg12: memref<64x128xf32, #tpu.memory_space<vmem>>, %arg13: memref<64x128xf32, #tpu.memory_space<vmem>>, %arg14: memref<64x128xf32, #tpu.memory_space<vmem>>, %arg15: memref<64x128xf32, #tpu.memory_space<vmem>>, %arg16: memref<64x128xf32, #tpu.memory_space<vmem>>, %arg17: memref<64x128xf32, #tpu.memory_space<vmem>>, %arg18: memref<64x128xf32, #tpu.memory_space<vmem>>, %arg19: memref<64x128xf32, #tpu.memory_space<vmem>>, %arg20: memref<!tpu.dma_semaphore, #tpu.memory_space<semaphore_mem>>, %arg21: memref<!tpu.dma_semaphore, #tpu.memory_space<semaphore_mem>>, %arg22: memref<!tpu.dma_semaphore, #tpu.memory_space<semaphore_mem>>, %arg23: memref<!tpu.dma_semaphore, #tpu.memory_space<semaphore_mem>>) attributes {dimension_semantics = [#tpu.dimension_semantics<core_parallel>, #tpu.dimension_semantics<subcore_parallel>], iteration_bounds = array<i64: 2, 16>, scalar_prefetch = 0 : i64, scratch_operands = 15 : i64, tpu.core_type = #tpu.core_type<sc_vector_subcore>, window_params = [{transform_indices = #map}, {transform_indices = #map1}, {transform_indices = #map1}, {transform_indices = #map1}, {transform_indices = #map1}, {transform_indices = #map1}, {transform_indices = #map1}]} {
    %mul3A = arith.constant 2 : i32
    %mul3A_0 = arith.muli %arg1, %mul3A : i32
    %add3A = arith.addi %mul3A_0, %arg0 : i32
    %mul3A_1 = arith.constant 8 : i32
    %mul3A_2 = arith.muli %add3A, %mul3A_1 : i32
    %dma_start3A = arith.constant 0 : i32
    %dma_start3A_3 = arith.constant 0 : i32
    %dma_start3A_4 = tpu.memref_slice %arg2[%dma_start3A, %mul3A_2, %dma_start3A_3] : memref<3x256x64xi32, #tpu.memory_space<hbm>> -> memref<1x8x64xi32, #tpu.memory_space<hbm>>
    %dma_start3A_5 = tpu.memref_squeeze %dma_start3A_4 : memref<1x8x64xi32, #tpu.memory_space<hbm>> -> memref<8x64xi32, #tpu.memory_space<hbm>>
    %dma_start3A_6 = arith.constant 0 : i32
    %dma_start3A_7 = tpu.memref_slice %arg2[%dma_start3A, %mul3A_2, %dma_start3A_6] : memref<3x256x64xi32, #tpu.memory_space<hbm>> -> memref<1x8x64xi32, #tpu.memory_space<hbm>>
    %dma_start3A_8 = tpu.memref_squeeze %dma_start3A_7 : memref<1x8x64xi32, #tpu.memory_space<hbm>> -> memref<8x64xi32, #tpu.memory_space<hbm>>
    tpu.enqueue_dma source(%dma_start3A_8 : memref<8x64xi32, #tpu.memory_space<hbm>>) target(%arg9 : memref<8x64xi32, #tpu.memory_space<vmem>>) target_semaphore(%arg20 : memref<!tpu.dma_semaphore, #tpu.memory_space<semaphore_mem>>)
    %mul3A_9 = arith.constant 8 : i32
    %mul3A_10 = arith.muli %add3A, %mul3A_9 : i32
    %dma_start3A_11 = arith.constant 1 : i32
    %dma_start3A_12 = arith.constant 0 : i32
    %dma_start3A_13 = tpu.memref_slice %arg2[%dma_start3A_11, %mul3A_10, %dma_start3A_12] : memref<3x256x64xi32, #tpu.memory_space<hbm>> -> memref<1x8x64xi32, #tpu.memory_space<hbm>>
    %dma_start3A_14 = tpu.memref_squeeze %dma_start3A_13 : memref<1x8x64xi32, #tpu.memory_space<hbm>> -> memref<8x64xi32, #tpu.memory_space<hbm>>
    %dma_start3A_15 = arith.constant 0 : i32
    %dma_start3A_16 = tpu.memref_slice %arg2[%dma_start3A_11, %mul3A_10, %dma_start3A_15] : memref<3x256x64xi32, #tpu.memory_space<hbm>> -> memref<1x8x64xi32, #tpu.memory_space<hbm>>
    %dma_start3A_17 = tpu.memref_squeeze %dma_start3A_16 : memref<1x8x64xi32, #tpu.memory_space<hbm>> -> memref<8x64xi32, #tpu.memory_space<hbm>>
    tpu.enqueue_dma source(%dma_start3A_17 : memref<8x64xi32, #tpu.memory_space<hbm>>) target(%arg10 : memref<8x64xi32, #tpu.memory_space<vmem>>) target_semaphore(%arg20 : memref<!tpu.dma_semaphore, #tpu.memory_space<semaphore_mem>>)
    %mul3A_18 = arith.constant 8 : i32
    %mul3A_19 = arith.muli %add3A, %mul3A_18 : i32
    %dma_start3A_20 = arith.constant 2 : i32
    %dma_start3A_21 = arith.constant 0 : i32
    %dma_start3A_22 = tpu.memref_slice %arg2[%dma_start3A_20, %mul3A_19, %dma_start3A_21] : memref<3x256x64xi32, #tpu.memory_space<hbm>> -> memref<1x8x64xi32, #tpu.memory_space<hbm>>
    %dma_start3A_23 = tpu.memref_squeeze %dma_start3A_22 : memref<1x8x64xi32, #tpu.memory_space<hbm>> -> memref<8x64xi32, #tpu.memory_space<hbm>>
    %dma_start3A_24 = arith.constant 0 : i32
    %dma_start3A_25 = tpu.memref_slice %arg2[%dma_start3A_20, %mul3A_19, %dma_start3A_24] : memref<3x256x64xi32, #tpu.memory_space<hbm>> -> memref<1x8x64xi32, #tpu.memory_space<hbm>>
    %dma_start3A_26 = tpu.memref_squeeze %dma_start3A_25 : memref<1x8x64xi32, #tpu.memory_space<hbm>> -> memref<8x64xi32, #tpu.memory_space<hbm>>
    tpu.enqueue_dma source(%dma_start3A_26 : memref<8x64xi32, #tpu.memory_space<hbm>>) target(%arg11 : memref<8x64xi32, #tpu.memory_space<vmem>>) target_semaphore(%arg20 : memref<!tpu.dma_semaphore, #tpu.memory_space<semaphore_mem>>)
    %dma_wait3A = arith.constant 0 : i32
    %dma_wait3A_27 = arith.constant 0 : i32
    %dma_wait3A_28 = tpu.memref_slice %arg2[%dma_wait3A, %mul3A_2, %dma_wait3A_27] : memref<3x256x64xi32, #tpu.memory_space<hbm>> -> memref<1x8x64xi32, #tpu.memory_space<hbm>>
    %dma_wait3A_29 = tpu.memref_squeeze %dma_wait3A_28 : memref<1x8x64xi32, #tpu.memory_space<hbm>> -> memref<8x64xi32, #tpu.memory_space<hbm>>
    %dma_wait3A_30 = arith.constant 0 : i32
    %dma_wait3A_31 = tpu.memref_slice %arg2[%dma_wait3A, %mul3A_2, %dma_wait3A_30] : memref<3x256x64xi32, #tpu.memory_space<hbm>> -> memref<1x8x64xi32, #tpu.memory_space<hbm>>
    %dma_wait3A_32 = tpu.memref_squeeze %dma_wait3A_31 : memref<1x8x64xi32, #tpu.memory_space<hbm>> -> memref<8x64xi32, #tpu.memory_space<hbm>>
    tpu.wait_dma2 semaphore(%arg20 : memref<!tpu.dma_semaphore, #tpu.memory_space<semaphore_mem>>) src(%dma_wait3A_32 : memref<8x64xi32, #tpu.memory_space<hbm>>) dst(%arg9 : memref<8x64xi32, #tpu.memory_space<vmem>>)
    %dma_wait3A_33 = arith.constant 1 : i32
    %dma_wait3A_34 = arith.constant 0 : i32
    %dma_wait3A_35 = tpu.memref_slice %arg2[%dma_wait3A_33, %mul3A_10, %dma_wait3A_34] : memref<3x256x64xi32, #tpu.memory_space<hbm>> -> memref<1x8x64xi32, #tpu.memory_space<hbm>>
    %dma_wait3A_36 = tpu.memref_squeeze %dma_wait3A_35 : memref<1x8x64xi32, #tpu.memory_space<hbm>> -> memref<8x64xi32, #tpu.memory_space<hbm>>
    %dma_wait3A_37 = arith.constant 0 : i32
    %dma_wait3A_38 = tpu.memref_slice %arg2[%dma_wait3A_33, %mul3A_10, %dma_wait3A_37] : memref<3x256x64xi32, #tpu.memory_space<hbm>> -> memref<1x8x64xi32, #tpu.memory_space<hbm>>
    %dma_wait3A_39 = tpu.memref_squeeze %dma_wait3A_38 : memref<1x8x64xi32, #tpu.memory_space<hbm>> -> memref<8x64xi32, #tpu.memory_space<hbm>>
    tpu.wait_dma2 semaphore(%arg20 : memref<!tpu.dma_semaphore, #tpu.memory_space<semaphore_mem>>) src(%dma_wait3A_39 : memref<8x64xi32, #tpu.memory_space<hbm>>) dst(%arg10 : memref<8x64xi32, #tpu.memory_space<vmem>>)
    %dma_wait3A_40 = arith.constant 2 : i32
    %dma_wait3A_41 = arith.constant 0 : i32
    %dma_wait3A_42 = tpu.memref_slice %arg2[%dma_wait3A_40, %mul3A_19, %dma_wait3A_41] : memref<3x256x64xi32, #tpu.memory_space<hbm>> -> memref<1x8x64xi32, #tpu.memory_space<hbm>>
    %dma_wait3A_43 = tpu.memref_squeeze %dma_wait3A_42 : memref<1x8x64xi32, #tpu.memory_space<hbm>> -> memref<8x64xi32, #tpu.memory_space<hbm>>
    %dma_wait3A_44 = arith.constant 0 : i32
    %dma_wait3A_45 = tpu.memref_slice %arg2[%dma_wait3A_40, %mul3A_19, %dma_wait3A_44] : memref<3x256x64xi32, #tpu.memory_space<hbm>> -> memref<1x8x64xi32, #tpu.memory_space<hbm>>
    %dma_wait3A_46 = tpu.memref_squeeze %dma_wait3A_45 : memref<1x8x64xi32, #tpu.memory_space<hbm>> -> memref<8x64xi32, #tpu.memory_space<hbm>>
    tpu.wait_dma2 semaphore(%arg20 : memref<!tpu.dma_semaphore, #tpu.memory_space<semaphore_mem>>) src(%dma_wait3A_46 : memref<8x64xi32, #tpu.memory_space<hbm>>) dst(%arg11 : memref<8x64xi32, #tpu.memory_space<vmem>>)
    %dma_start3A_47 = arith.constant 0 : i32
    %dma_start3A_48 = arith.constant 0 : i32
    %dma_start3A_49 = tpu.memref_slice %arg9[%dma_start3A_47, %dma_start3A_48] : memref<8x64xi32, #tpu.memory_space<vmem>> -> memref<1x64xi32, #tpu.memory_space<vmem>>
    %dma_start3A_50 = tpu.memref_squeeze %dma_start3A_49 : memref<1x64xi32, #tpu.memory_space<vmem>> -> memref<64xi32, #tpu.memory_space<vmem>>
    %dma_start3A_51 = arith.constant 0 : i32
    %dma_start3A_52 = arith.constant 0 : i32
    %dma_start3A_53 = tpu.memref_slice %arg3[%dma_start3A_51, %dma_start3A_52] : memref<100000x128xf32, #tpu.memory_space<hbm>> -> memref<100000x128xf32, #tpu.memory_space<hbm>>
    tpu.enqueue_indirect_dma source(%dma_start3A_53 : memref<100000x128xf32, #tpu.memory_space<hbm>>) target(%arg12 : memref<64x128xf32, #tpu.memory_space<vmem>>) offsets(%dma_start3A_50 : memref<64xi32, #tpu.memory_space<vmem>>) semaphore(%arg20 : memref<!tpu.dma_semaphore, #tpu.memory_space<semaphore_mem>>)
    %dma_start3A_54 = arith.constant 0 : i32
    %dma_start3A_55 = arith.constant 0 : i32
    %dma_start3A_56 = tpu.memref_slice %arg10[%dma_start3A_54, %dma_start3A_55] : memref<8x64xi32, #tpu.memory_space<vmem>> -> memref<1x64xi32, #tpu.memory_space<vmem>>
    %dma_start3A_57 = tpu.memref_squeeze %dma_start3A_56 : memref<1x64xi32, #tpu.memory_space<vmem>> -> memref<64xi32, #tpu.memory_space<vmem>>
    %dma_start3A_58 = arith.constant 0 : i32
    %dma_start3A_59 = arith.constant 0 : i32
    %dma_start3A_60 = tpu.memref_slice %arg4[%dma_start3A_58, %dma_start3A_59] : memref<100000x128xf32, #tpu.memory_space<hbm>> -> memref<100000x128xf32, #tpu.memory_space<hbm>>
    tpu.enqueue_indirect_dma source(%dma_start3A_60 : memref<100000x128xf32, #tpu.memory_space<hbm>>) target(%arg13 : memref<64x128xf32, #tpu.memory_space<vmem>>) offsets(%dma_start3A_57 : memref<64xi32, #tpu.memory_space<vmem>>) semaphore(%arg20 : memref<!tpu.dma_semaphore, #tpu.memory_space<semaphore_mem>>)
    %dma_start3A_61 = arith.constant 0 : i32
    %dma_start3A_62 = arith.constant 0 : i32
    %dma_start3A_63 = tpu.memref_slice %arg11[%dma_start3A_61, %dma_start3A_62] : memref<8x64xi32, #tpu.memory_space<vmem>> -> memref<1x64xi32, #tpu.memory_space<vmem>>
    %dma_start3A_64 = tpu.memref_squeeze %dma_start3A_63 : memref<1x64xi32, #tpu.memory_space<vmem>> -> memref<64xi32, #tpu.memory_space<vmem>>
    %dma_start3A_65 = arith.constant 0 : i32
    %dma_start3A_66 = arith.constant 0 : i32
    %dma_start3A_67 = tpu.memref_slice %arg3[%dma_start3A_65, %dma_start3A_66] : memref<100000x128xf32, #tpu.memory_space<hbm>> -> memref<100000x128xf32, #tpu.memory_space<hbm>>
    tpu.enqueue_indirect_dma source(%dma_start3A_67 : memref<100000x128xf32, #tpu.memory_space<hbm>>) target(%arg14 : memref<64x128xf32, #tpu.memory_space<vmem>>) offsets(%dma_start3A_64 : memref<64xi32, #tpu.memory_space<vmem>>) semaphore(%arg20 : memref<!tpu.dma_semaphore, #tpu.memory_space<semaphore_mem>>)
    %dma_start3A_68 = arith.constant 0 : i32
    %dma_start3A_69 = arith.constant 0 : i32
    %dma_start3A_70 = tpu.memref_slice %arg10[%dma_start3A_68, %dma_start3A_69] : memref<8x64xi32, #tpu.memory_space<vmem>> -> memref<1x64xi32, #tpu.memory_space<vmem>>
    %dma_start3A_71 = tpu.memref_squeeze %dma_start3A_70 : memref<1x64xi32, #tpu.memory_space<vmem>> -> memref<64xi32, #tpu.memory_space<vmem>>
    %dma_start3A_72 = arith.constant 0 : i32
    %dma_start3A_73 = arith.constant 0 : i32
    %dma_start3A_74 = tpu.memref_slice %arg5[%dma_start3A_72, %dma_start3A_73] : memref<100000x128xf32, #tpu.memory_space<hbm>> -> memref<100000x128xf32, #tpu.memory_space<hbm>>
    tpu.enqueue_indirect_dma source(%dma_start3A_74 : memref<100000x128xf32, #tpu.memory_space<hbm>>) target(%arg15 : memref<64x128xf32, #tpu.memory_space<vmem>>) offsets(%dma_start3A_71 : memref<64xi32, #tpu.memory_space<vmem>>) semaphore(%arg20 : memref<!tpu.dma_semaphore, #tpu.memory_space<semaphore_mem>>)
    %scan3A = arith.constant 0 : i32
    %scan3A_75 = arith.constant 0 : i32
    %scan3A_76 = arith.constant 4 : i32
    %scan3A_77 = arith.addi %scan3A_75, %scan3A_76 : i32
    %scan3A_78 = arith.constant 1 : i32
    %scan3A_79 = scf.for %scan3A_117 = %scan3A_75 to %scan3A_77 step %scan3A_78 iter_args(%scan3A_118 = %scan3A) -> (i32)  : i32 {
      %mul3A_119 = arith.constant 2 : i32
      %mul3A_120 = arith.muli %scan3A_117, %mul3A_119 : i32
      %gt3A = arith.constant 0 : i32
      %gt3A_121 = arith.cmpi sgt, %scan3A_117, %gt3A : i32
      %convert_element_type3A = arith.extui %gt3A_121 : i1 to i32
      %cond3A = arith.constant 0 : i32
      %cond3A_122 = arith.cmpi ne, %convert_element_type3A, %cond3A : i32
      scf.if %cond3A_122 {
        %dma_wait3A_262 = arith.constant 0 : i32
        %dma_wait3A_263 = arith.constant 0 : i32
        %dma_wait3A_264 = tpu.memref_slice %arg6[%dma_wait3A_262, %dma_wait3A_263] : memref<16384x128xf32, #tpu.memory_space<hbm>> -> memref<64x128xf32, #tpu.memory_space<hbm>>
        %dma_wait3A_265 = arith.constant 0 : i32
        %dma_wait3A_266 = arith.constant 0 : i32
        %dma_wait3A_267 = tpu.memref_slice %arg6[%dma_wait3A_265, %dma_wait3A_266] : memref<16384x128xf32, #tpu.memory_space<hbm>> -> memref<64x128xf32, #tpu.memory_space<hbm>>
        tpu.wait_dma2 semaphore(%arg23 : memref<!tpu.dma_semaphore, #tpu.memory_space<semaphore_mem>>) src(%arg16 : memref<64x128xf32, #tpu.memory_space<vmem>>) dst(%dma_wait3A_267 : memref<64x128xf32, #tpu.memory_space<hbm>>)
        %dma_wait3A_268 = arith.constant 0 : i32
        %dma_wait3A_269 = arith.constant 0 : i32
        %dma_wait3A_270 = tpu.memref_slice %arg7[%dma_wait3A_268, %dma_wait3A_269] : memref<16384x128xf32, #tpu.memory_space<hbm>> -> memref<64x128xf32, #tpu.memory_space<hbm>>
        %dma_wait3A_271 = arith.constant 0 : i32
        %dma_wait3A_272 = arith.constant 0 : i32
        %dma_wait3A_273 = tpu.memref_slice %arg7[%dma_wait3A_271, %dma_wait3A_272] : memref<16384x128xf32, #tpu.memory_space<hbm>> -> memref<64x128xf32, #tpu.memory_space<hbm>>
        tpu.wait_dma2 semaphore(%arg23 : memref<!tpu.dma_semaphore, #tpu.memory_space<semaphore_mem>>) src(%arg17 : memref<64x128xf32, #tpu.memory_space<vmem>>) dst(%dma_wait3A_273 : memref<64x128xf32, #tpu.memory_space<hbm>>)
        %dma_wait3A_274 = arith.constant 0 : i32
        %dma_wait3A_275 = arith.constant 0 : i32
        %dma_wait3A_276 = tpu.memref_slice %arg8[%dma_wait3A_274, %dma_wait3A_275] : memref<16384x128xf32, #tpu.memory_space<hbm>> -> memref<64x128xf32, #tpu.memory_space<hbm>>
        %dma_wait3A_277 = arith.constant 0 : i32
        %dma_wait3A_278 = arith.constant 0 : i32
        %dma_wait3A_279 = tpu.memref_slice %arg8[%dma_wait3A_277, %dma_wait3A_278] : memref<16384x128xf32, #tpu.memory_space<hbm>> -> memref<64x128xf32, #tpu.memory_space<hbm>>
        tpu.wait_dma2 semaphore(%arg23 : memref<!tpu.dma_semaphore, #tpu.memory_space<semaphore_mem>>) src(%arg18 : memref<64x128xf32, #tpu.memory_space<vmem>>) dst(%dma_wait3A_279 : memref<64x128xf32, #tpu.memory_space<hbm>>)
      } else {
      }
      %add3A_123 = arith.constant 1 : i32
      %add3A_124 = arith.addi %mul3A_120, %add3A_123 : i32
      %dma_start3A_125 = arith.constant 0 : i32
      %dma_start3A_126 = tpu.memref_slice %arg9[%add3A_124, %dma_start3A_125] : memref<8x64xi32, #tpu.memory_space<vmem>> -> memref<1x64xi32, #tpu.memory_space<vmem>>
      %dma_start3A_127 = tpu.memref_squeeze %dma_start3A_126 : memref<1x64xi32, #tpu.memory_space<vmem>> -> memref<64xi32, #tpu.memory_space<vmem>>
      %dma_start3A_128 = arith.constant 0 : i32
      %dma_start3A_129 = arith.constant 0 : i32
      %dma_start3A_130 = tpu.memref_slice %arg3[%dma_start3A_128, %dma_start3A_129] : memref<100000x128xf32, #tpu.memory_space<hbm>> -> memref<100000x128xf32, #tpu.memory_space<hbm>>
      tpu.enqueue_indirect_dma source(%dma_start3A_130 : memref<100000x128xf32, #tpu.memory_space<hbm>>) target(%arg16 : memref<64x128xf32, #tpu.memory_space<vmem>>) offsets(%dma_start3A_127 : memref<64xi32, #tpu.memory_space<vmem>>) semaphore(%arg21 : memref<!tpu.dma_semaphore, #tpu.memory_space<semaphore_mem>>)
      %dma_start3A_131 = arith.constant 0 : i32
      %dma_start3A_132 = tpu.memref_slice %arg10[%add3A_124, %dma_start3A_131] : memref<8x64xi32, #tpu.memory_space<vmem>> -> memref<1x64xi32, #tpu.memory_space<vmem>>
      %dma_start3A_133 = tpu.memref_squeeze %dma_start3A_132 : memref<1x64xi32, #tpu.memory_space<vmem>> -> memref<64xi32, #tpu.memory_space<vmem>>
      %dma_start3A_134 = arith.constant 0 : i32
      %dma_start3A_135 = arith.constant 0 : i32
      %dma_start3A_136 = tpu.memref_slice %arg4[%dma_start3A_134, %dma_start3A_135] : memref<100000x128xf32, #tpu.memory_space<hbm>> -> memref<100000x128xf32, #tpu.memory_space<hbm>>
      tpu.enqueue_indirect_dma source(%dma_start3A_136 : memref<100000x128xf32, #tpu.memory_space<hbm>>) target(%arg17 : memref<64x128xf32, #tpu.memory_space<vmem>>) offsets(%dma_start3A_133 : memref<64xi32, #tpu.memory_space<vmem>>) semaphore(%arg21 : memref<!tpu.dma_semaphore, #tpu.memory_space<semaphore_mem>>)
      %dma_start3A_137 = arith.constant 0 : i32
      %dma_start3A_138 = tpu.memref_slice %arg11[%add3A_124, %dma_start3A_137] : memref<8x64xi32, #tpu.memory_space<vmem>> -> memref<1x64xi32, #tpu.memory_space<vmem>>
      %dma_start3A_139 = tpu.memref_squeeze %dma_start3A_138 : memref<1x64xi32, #tpu.memory_space<vmem>> -> memref<64xi32, #tpu.memory_space<vmem>>
      %dma_start3A_140 = arith.constant 0 : i32
      %dma_start3A_141 = arith.constant 0 : i32
      %dma_start3A_142 = tpu.memref_slice %arg3[%dma_start3A_140, %dma_start3A_141] : memref<100000x128xf32, #tpu.memory_space<hbm>> -> memref<100000x128xf32, #tpu.memory_space<hbm>>
      tpu.enqueue_indirect_dma source(%dma_start3A_142 : memref<100000x128xf32, #tpu.memory_space<hbm>>) target(%arg18 : memref<64x128xf32, #tpu.memory_space<vmem>>) offsets(%dma_start3A_139 : memref<64xi32, #tpu.memory_space<vmem>>) semaphore(%arg21 : memref<!tpu.dma_semaphore, #tpu.memory_space<semaphore_mem>>)
      %dma_start3A_143 = arith.constant 0 : i32
      %dma_start3A_144 = tpu.memref_slice %arg10[%add3A_124, %dma_start3A_143] : memref<8x64xi32, #tpu.memory_space<vmem>> -> memref<1x64xi32, #tpu.memory_space<vmem>>
      %dma_start3A_145 = tpu.memref_squeeze %dma_start3A_144 : memref<1x64xi32, #tpu.memory_space<vmem>> -> memref<64xi32, #tpu.memory_space<vmem>>
      %dma_start3A_146 = arith.constant 0 : i32
      %dma_start3A_147 = arith.constant 0 : i32
      %dma_start3A_148 = tpu.memref_slice %arg5[%dma_start3A_146, %dma_start3A_147] : memref<100000x128xf32, #tpu.memory_space<hbm>> -> memref<100000x128xf32, #tpu.memory_space<hbm>>
      tpu.enqueue_indirect_dma source(%dma_start3A_148 : memref<100000x128xf32, #tpu.memory_space<hbm>>) target(%arg19 : memref<64x128xf32, #tpu.memory_space<vmem>>) offsets(%dma_start3A_145 : memref<64xi32, #tpu.memory_space<vmem>>) semaphore(%arg21 : memref<!tpu.dma_semaphore, #tpu.memory_space<semaphore_mem>>)
      %dma_wait3A_149 = arith.constant 0 : i32
      %dma_wait3A_150 = arith.constant 0 : i32
      %dma_wait3A_151 = tpu.memref_slice %arg9[%dma_wait3A_149, %dma_wait3A_150] : memref<8x64xi32, #tpu.memory_space<vmem>> -> memref<1x64xi32, #tpu.memory_space<vmem>>
      %dma_wait3A_152 = tpu.memref_squeeze %dma_wait3A_151 : memref<1x64xi32, #tpu.memory_space<vmem>> -> memref<64xi32, #tpu.memory_space<vmem>>
      %dma_wait3A_153 = arith.constant 0 : i32
      %dma_wait3A_154 = arith.constant 0 : i32
      %dma_wait3A_155 = tpu.memref_slice %arg3[%dma_wait3A_153, %dma_wait3A_154] : memref<100000x128xf32, #tpu.memory_space<hbm>> -> memref<100000x128xf32, #tpu.memory_space<hbm>>
      tpu.wait_indirect_dma semaphore(%arg20 : memref<!tpu.dma_semaphore, #tpu.memory_space<semaphore_mem>>) src(%dma_wait3A_155 : memref<100000x128xf32, #tpu.memory_space<hbm>>) dst(%arg12 : memref<64x128xf32, #tpu.memory_space<vmem>>)
      %dma_wait3A_156 = arith.constant 0 : i32
      %dma_wait3A_157 = arith.constant 0 : i32
      %dma_wait3A_158 = tpu.memref_slice %arg10[%dma_wait3A_156, %dma_wait3A_157] : memref<8x64xi32, #tpu.memory_space<vmem>> -> memref<1x64xi32, #tpu.memory_space<vmem>>
      %dma_wait3A_159 = tpu.memref_squeeze %dma_wait3A_158 : memref<1x64xi32, #tpu.memory_space<vmem>> -> memref<64xi32, #tpu.memory_space<vmem>>
      %dma_wait3A_160 = arith.constant 0 : i32
      %dma_wait3A_161 = arith.constant 0 : i32
      %dma_wait3A_162 = tpu.memref_slice %arg4[%dma_wait3A_160, %dma_wait3A_161] : memref<100000x128xf32, #tpu.memory_space<hbm>> -> memref<100000x128xf32, #tpu.memory_space<hbm>>
      tpu.wait_indirect_dma semaphore(%arg20 : memref<!tpu.dma_semaphore, #tpu.memory_space<semaphore_mem>>) src(%dma_wait3A_162 : memref<100000x128xf32, #tpu.memory_space<hbm>>) dst(%arg13 : memref<64x128xf32, #tpu.memory_space<vmem>>)
      %dma_wait3A_163 = arith.constant 0 : i32
      %dma_wait3A_164 = arith.constant 0 : i32
      %dma_wait3A_165 = tpu.memref_slice %arg11[%dma_wait3A_163, %dma_wait3A_164] : memref<8x64xi32, #tpu.memory_space<vmem>> -> memref<1x64xi32, #tpu.memory_space<vmem>>
      %dma_wait3A_166 = tpu.memref_squeeze %dma_wait3A_165 : memref<1x64xi32, #tpu.memory_space<vmem>> -> memref<64xi32, #tpu.memory_space<vmem>>
      %dma_wait3A_167 = arith.constant 0 : i32
      %dma_wait3A_168 = arith.constant 0 : i32
      %dma_wait3A_169 = tpu.memref_slice %arg3[%dma_wait3A_167, %dma_wait3A_168] : memref<100000x128xf32, #tpu.memory_space<hbm>> -> memref<100000x128xf32, #tpu.memory_space<hbm>>
      tpu.wait_indirect_dma semaphore(%arg20 : memref<!tpu.dma_semaphore, #tpu.memory_space<semaphore_mem>>) src(%dma_wait3A_169 : memref<100000x128xf32, #tpu.memory_space<hbm>>) dst(%arg14 : memref<64x128xf32, #tpu.memory_space<vmem>>)
      %dma_wait3A_170 = arith.constant 0 : i32
      %dma_wait3A_171 = arith.constant 0 : i32
      %dma_wait3A_172 = tpu.memref_slice %arg10[%dma_wait3A_170, %dma_wait3A_171] : memref<8x64xi32, #tpu.memory_space<vmem>> -> memref<1x64xi32, #tpu.memory_space<vmem>>
      %dma_wait3A_173 = tpu.memref_squeeze %dma_wait3A_172 : memref<1x64xi32, #tpu.memory_space<vmem>> -> memref<64xi32, #tpu.memory_space<vmem>>
      %dma_wait3A_174 = arith.constant 0 : i32
      %dma_wait3A_175 = arith.constant 0 : i32
      %dma_wait3A_176 = tpu.memref_slice %arg5[%dma_wait3A_174, %dma_wait3A_175] : memref<100000x128xf32, #tpu.memory_space<hbm>> -> memref<100000x128xf32, #tpu.memory_space<hbm>>
      tpu.wait_indirect_dma semaphore(%arg20 : memref<!tpu.dma_semaphore, #tpu.memory_space<semaphore_mem>>) src(%dma_wait3A_176 : memref<100000x128xf32, #tpu.memory_space<hbm>>) dst(%arg15 : memref<64x128xf32, #tpu.memory_space<vmem>>)
      %scan3A_177 = arith.constant 0 : i32
      %scan3A_178 = arith.constant 0 : i32
      %scan3A_179 = arith.constant 64 : i32
      %scan3A_180 = arith.addi %scan3A_178, %scan3A_179 : i32
      %scan3A_181 = arith.constant 1 : i32
      %scan3A_182 = scf.for %scan3A_262 = %scan3A_178 to %scan3A_180 step %scan3A_181 iter_args(%scan3A_263 = %scan3A_177) -> (i32)  : i32 {
        %get3A = arith.index_cast %scan3A_262 : i32 to index
        %get3A_264 = arith.constant 0 : index
        %get3A_265 = tpu.vector_load %arg15[%get3A, %get3A_264] {strides = array<i32>} : memref<64x128xf32, #tpu.memory_space<vmem>>, vector<16xf32>,
        %get3A_266 = arith.index_cast %scan3A_262 : i32 to index
        %get3A_267 = arith.constant 16 : index
        %get3A_268 = tpu.vector_load %arg15[%get3A_266, %get3A_267] {strides = array<i32>} : memref<64x128xf32, #tpu.memory_space<vmem>>, vector<16xf32>,
        %get3A_269 = arith.index_cast %scan3A_262 : i32 to index
        %get3A_270 = arith.constant 32 : index
        %get3A_271 = tpu.vector_load %arg15[%get3A_269, %get3A_270] {strides = array<i32>} : memref<64x128xf32, #tpu.memory_space<vmem>>, vector<16xf32>,
        %get3A_272 = arith.index_cast %scan3A_262 : i32 to index
        %get3A_273 = arith.constant 48 : index
        %get3A_274 = tpu.vector_load %arg15[%get3A_272, %get3A_273] {strides = array<i32>} : memref<64x128xf32, #tpu.memory_space<vmem>>, vector<16xf32>,
        %get3A_275 = arith.index_cast %scan3A_262 : i32 to index
        %get3A_276 = arith.constant 64 : index
        %get3A_277 = tpu.vector_load %arg15[%get3A_275, %get3A_276] {strides = array<i32>} : memref<64x128xf32, #tpu.memory_space<vmem>>, vector<16xf32>,
        %get3A_278 = arith.index_cast %scan3A_262 : i32 to index
        %get3A_279 = arith.constant 80 : index
        %get3A_280 = tpu.vector_load %arg15[%get3A_278, %get3A_279] {strides = array<i32>} : memref<64x128xf32, #tpu.memory_space<vmem>>, vector<16xf32>,
        %get3A_281 = arith.index_cast %scan3A_262 : i32 to index
        %get3A_282 = arith.constant 96 : index
        %get3A_283 = tpu.vector_load %arg15[%get3A_281, %get3A_282] {strides = array<i32>} : memref<64x128xf32, #tpu.memory_space<vmem>>, vector<16xf32>,
        %get3A_284 = arith.index_cast %scan3A_262 : i32 to index
        %get3A_285 = arith.constant 112 : index
        %get3A_286 = tpu.vector_load %arg15[%get3A_284, %get3A_285] {strides = array<i32>} : memref<64x128xf32, #tpu.memory_space<vmem>>, vector<16xf32>,
        %get3A_287 = arith.index_cast %scan3A_262 : i32 to index
        %get3A_288 = arith.constant 0 : index
        %get3A_289 = tpu.vector_load %arg12[%get3A_287, %get3A_288] {strides = array<i32>} : memref<64x128xf32, #tpu.memory_space<vmem>>, vector<16xf32>,
        %get3A_290 = arith.index_cast %scan3A_262 : i32 to index
        %get3A_291 = arith.constant 16 : index
        %get3A_292 = tpu.vector_load %arg12[%get3A_290, %get3A_291] {strides = array<i32>} : memref<64x128xf32, #tpu.memory_space<vmem>>, vector<16xf32>,
        %get3A_293 = arith.index_cast %scan3A_262 : i32 to index
        %get3A_294 = arith.constant 32 : index
        %get3A_295 = tpu.vector_load %arg12[%get3A_293, %get3A_294] {strides = array<i32>} : memref<64x128xf32, #tpu.memory_space<vmem>>, vector<16xf32>,
        %get3A_296 = arith.index_cast %scan3A_262 : i32 to index
        %get3A_297 = arith.constant 48 : index
        %get3A_298 = tpu.vector_load %arg12[%get3A_296, %get3A_297] {strides = array<i32>} : memref<64x128xf32, #tpu.memory_space<vmem>>, vector<16xf32>,
        %get3A_299 = arith.index_cast %scan3A_262 : i32 to index
        %get3A_300 = arith.constant 64 : index
        %get3A_301 = tpu.vector_load %arg12[%get3A_299, %get3A_300] {strides = array<i32>} : memref<64x128xf32, #tpu.memory_space<vmem>>, vector<16xf32>,
        %get3A_302 = arith.index_cast %scan3A_262 : i32 to index
        %get3A_303 = arith.constant 80 : index
        %get3A_304 = tpu.vector_load %arg12[%get3A_302, %get3A_303] {strides = array<i32>} : memref<64x128xf32, #tpu.memory_space<vmem>>, vector<16xf32>,
        %get3A_305 = arith.index_cast %scan3A_262 : i32 to index
        %get3A_306 = arith.constant 96 : index
        %get3A_307 = tpu.vector_load %arg12[%get3A_305, %get3A_306] {strides = array<i32>} : memref<64x128xf32, #tpu.memory_space<vmem>>, vector<16xf32>,
        %get3A_308 = arith.index_cast %scan3A_262 : i32 to index
        %get3A_309 = arith.constant 112 : index
        %get3A_310 = tpu.vector_load %arg12[%get3A_308, %get3A_309] {strides = array<i32>} : memref<64x128xf32, #tpu.memory_space<vmem>>, vector<16xf32>,
        %get3A_311 = arith.index_cast %scan3A_262 : i32 to index
        %get3A_312 = arith.constant 0 : index
        %get3A_313 = tpu.vector_load %arg13[%get3A_311, %get3A_312] {strides = array<i32>} : memref<64x128xf32, #tpu.memory_space<vmem>>, vector<16xf32>,
        %get3A_314 = arith.index_cast %scan3A_262 : i32 to index
        %get3A_315 = arith.constant 16 : index
        %get3A_316 = tpu.vector_load %arg13[%get3A_314, %get3A_315] {strides = array<i32>} : memref<64x128xf32, #tpu.memory_space<vmem>>, vector<16xf32>,
        %get3A_317 = arith.index_cast %scan3A_262 : i32 to index
        %get3A_318 = arith.constant 32 : index
        %get3A_319 = tpu.vector_load %arg13[%get3A_317, %get3A_318] {strides = array<i32>} : memref<64x128xf32, #tpu.memory_space<vmem>>, vector<16xf32>,
        %get3A_320 = arith.index_cast %scan3A_262 : i32 to index
        %get3A_321 = arith.constant 48 : index
        %get3A_322 = tpu.vector_load %arg13[%get3A_320, %get3A_321] {strides = array<i32>} : memref<64x128xf32, #tpu.memory_space<vmem>>, vector<16xf32>,
        %get3A_323 = arith.index_cast %scan3A_262 : i32 to index
        %get3A_324 = arith.constant 64 : index
        %get3A_325 = tpu.vector_load %arg13[%get3A_323, %get3A_324] {strides = array<i32>} : memref<64x128xf32, #tpu.memory_space<vmem>>, vector<16xf32>,
        %get3A_326 = arith.index_cast %scan3A_262 : i32 to index
        %get3A_327 = arith.constant 80 : index
        %get3A_328 = tpu.vector_load %arg13[%get3A_326, %get3A_327] {strides = array<i32>} : memref<64x128xf32, #tpu.memory_space<vmem>>, vector<16xf32>,
        %get3A_329 = arith.index_cast %scan3A_262 : i32 to index
        %get3A_330 = arith.constant 96 : index
        %get3A_331 = tpu.vector_load %arg13[%get3A_329, %get3A_330] {strides = array<i32>} : memref<64x128xf32, #tpu.memory_space<vmem>>, vector<16xf32>,
        %get3A_332 = arith.index_cast %scan3A_262 : i32 to index
        %get3A_333 = arith.constant 112 : index
        %get3A_334 = tpu.vector_load %arg13[%get3A_332, %get3A_333] {strides = array<i32>} : memref<64x128xf32, #tpu.memory_space<vmem>>, vector<16xf32>,
        %get3A_335 = arith.index_cast %scan3A_262 : i32 to index
        %get3A_336 = arith.constant 0 : index
        %get3A_337 = tpu.vector_load %arg14[%get3A_335, %get3A_336] {strides = array<i32>} : memref<64x128xf32, #tpu.memory_space<vmem>>, vector<16xf32>,
        %get3A_338 = arith.index_cast %scan3A_262 : i32 to index
        %get3A_339 = arith.constant 16 : index
        %get3A_340 = tpu.vector_load %arg14[%get3A_338, %get3A_339] {strides = array<i32>} : memref<64x128xf32, #tpu.memory_space<vmem>>, vector<16xf32>,
        %get3A_341 = arith.index_cast %scan3A_262 : i32 to index
        %get3A_342 = arith.constant 32 : index
        %get3A_343 = tpu.vector_load %arg14[%get3A_341, %get3A_342] {strides = array<i32>} : memref<64x128xf32, #tpu.memory_space<vmem>>, vector<16xf32>,
        %get3A_344 = arith.index_cast %scan3A_262 : i32 to index
        %get3A_345 = arith.constant 48 : index
        %get3A_346 = tpu.vector_load %arg14[%get3A_344, %get3A_345] {strides = array<i32>} : memref<64x128xf32, #tpu.memory_space<vmem>>, vector<16xf32>,
        %get3A_347 = arith.index_cast %scan3A_262 : i32 to index
        %get3A_348 = arith.constant 64 : index
        %get3A_349 = tpu.vector_load %arg14[%get3A_347, %get3A_348] {strides = array<i32>} : memref<64x128xf32, #tpu.memory_space<vmem>>, vector<16xf32>,
        %get3A_350 = arith.index_cast %scan3A_262 : i32 to index
        %get3A_351 = arith.constant 80 : index
        %get3A_352 = tpu.vector_load %arg14[%get3A_350, %get3A_351] {strides = array<i32>} : memref<64x128xf32, #tpu.memory_space<vmem>>, vector<16xf32>,
        %get3A_353 = arith.index_cast %scan3A_262 : i32 to index
        %get3A_354 = arith.constant 96 : index
        %get3A_355 = tpu.vector_load %arg14[%get3A_353, %get3A_354] {strides = array<i32>} : memref<64x128xf32, #tpu.memory_space<vmem>>, vector<16xf32>,
        %get3A_356 = arith.index_cast %scan3A_262 : i32 to index
        %get3A_357 = arith.constant 112 : index
        %get3A_358 = tpu.vector_load %arg14[%get3A_356, %get3A_357] {strides = array<i32>} : memref<64x128xf32, #tpu.memory_space<vmem>>, vector<16xf32>,
        %mul3A_359 = arith.mulf %get3A_265, %get3A_265 : vector<16xf32>
        %mul3A_360 = arith.mulf %get3A_289, %get3A_265 : vector<16xf32>
        %mul3A_361 = arith.mulf %get3A_313, %get3A_265 : vector<16xf32>
        %mul3A_362 = arith.mulf %get3A_337, %get3A_265 : vector<16xf32>
        %mul3A_363 = arith.mulf %get3A_268, %get3A_268 : vector<16xf32>
        %add3A_364 = arith.addf %mul3A_359, %mul3A_363 : vector<16xf32>
        %mul3A_365 = arith.mulf %get3A_292, %get3A_268 : vector<16xf32>
        %add3A_366 = arith.addf %mul3A_360, %mul3A_365 : vector<16xf32>
        %mul3A_367 = arith.mulf %get3A_316, %get3A_268 : vector<16xf32>
        %add3A_368 = arith.addf %mul3A_361, %mul3A_367 : vector<16xf32>
        %mul3A_369 = arith.mulf %get3A_340, %get3A_268 : vector<16xf32>
        %add3A_370 = arith.addf %mul3A_362, %mul3A_369 : vector<16xf32>
        %mul3A_371 = arith.mulf %get3A_271, %get3A_271 : vector<16xf32>
        %add3A_372 = arith.addf %add3A_364, %mul3A_371 : vector<16xf32>
        %mul3A_373 = arith.mulf %get3A_295, %get3A_271 : vector<16xf32>
        %add3A_374 = arith.addf %add3A_366, %mul3A_373 : vector<16xf32>
        %mul3A_375 = arith.mulf %get3A_319, %get3A_271 : vector<16xf32>
        %add3A_376 = arith.addf %add3A_368, %mul3A_375 : vector<16xf32>
        %mul3A_377 = arith.mulf %get3A_343, %get3A_271 : vector<16xf32>
        %add3A_378 = arith.addf %add3A_370, %mul3A_377 : vector<16xf32>
        %mul3A_379 = arith.mulf %get3A_274, %get3A_274 : vector<16xf32>
        %add3A_380 = arith.addf %add3A_372, %mul3A_379 : vector<16xf32>
        %mul3A_381 = arith.mulf %get3A_298, %get3A_274 : vector<16xf32>
        %add3A_382 = arith.addf %add3A_374, %mul3A_381 : vector<16xf32>
        %mul3A_383 = arith.mulf %get3A_322, %get3A_274 : vector<16xf32>
        %add3A_384 = arith.addf %add3A_376, %mul3A_383 : vector<16xf32>
        %mul3A_385 = arith.mulf %get3A_346, %get3A_274 : vector<16xf32>
        %add3A_386 = arith.addf %add3A_378, %mul3A_385 : vector<16xf32>
        %mul3A_387 = arith.mulf %get3A_277, %get3A_277 : vector<16xf32>
        %add3A_388 = arith.addf %add3A_380, %mul3A_387 : vector<16xf32>
        %mul3A_389 = arith.mulf %get3A_301, %get3A_277 : vector<16xf32>
        %add3A_390 = arith.addf %add3A_382, %mul3A_389 : vector<16xf32>
        %mul3A_391 = arith.mulf %get3A_325, %get3A_277 : vector<16xf32>
        %add3A_392 = arith.addf %add3A_384, %mul3A_391 : vector<16xf32>
        %mul3A_393 = arith.mulf %get3A_349, %get3A_277 : vector<16xf32>
        %add3A_394 = arith.addf %add3A_386, %mul3A_393 : vector<16xf32>
        %mul3A_395 = arith.mulf %get3A_280, %get3A_280 : vector<16xf32>
        %add3A_396 = arith.addf %add3A_388, %mul3A_395 : vector<16xf32>
        %mul3A_397 = arith.mulf %get3A_304, %get3A_280 : vector<16xf32>
        %add3A_398 = arith.addf %add3A_390, %mul3A_397 : vector<16xf32>
        %mul3A_399 = arith.mulf %get3A_328, %get3A_280 : vector<16xf32>
        %add3A_400 = arith.addf %add3A_392, %mul3A_399 : vector<16xf32>
        %mul3A_401 = arith.mulf %get3A_352, %get3A_280 : vector<16xf32>
        %add3A_402 = arith.addf %add3A_394, %mul3A_401 : vector<16xf32>
        %mul3A_403 = arith.mulf %get3A_283, %get3A_283 : vector<16xf32>
        %add3A_404 = arith.addf %add3A_396, %mul3A_403 : vector<16xf32>
        %mul3A_405 = arith.mulf %get3A_307, %get3A_283 : vector<16xf32>
        %add3A_406 = arith.addf %add3A_398, %mul3A_405 : vector<16xf32>
        %mul3A_407 = arith.mulf %get3A_331, %get3A_283 : vector<16xf32>
        %add3A_408 = arith.addf %add3A_400, %mul3A_407 : vector<16xf32>
        %mul3A_409 = arith.mulf %get3A_355, %get3A_283 : vector<16xf32>
        %add3A_410 = arith.addf %add3A_402, %mul3A_409 : vector<16xf32>
        %mul3A_411 = arith.mulf %get3A_286, %get3A_286 : vector<16xf32>
        %add3A_412 = arith.addf %add3A_404, %mul3A_411 : vector<16xf32>
        %mul3A_413 = arith.mulf %get3A_310, %get3A_286 : vector<16xf32>
        %add3A_414 = arith.addf %add3A_406, %mul3A_413 : vector<16xf32>
        %mul3A_415 = arith.mulf %get3A_334, %get3A_286 : vector<16xf32>
        %add3A_416 = arith.addf %add3A_408, %mul3A_415 : vector<16xf32>
        %mul3A_417 = arith.mulf %get3A_358, %get3A_286 : vector<16xf32>
        %add3A_418 = arith.addf %add3A_410, %mul3A_417 : vector<16xf32>
        %reduce_sum3A = arith.constant true
        %reduce_sum3A_419 = vector.broadcast %reduce_sum3A : i1 to vector<16xi1>
        %reduce_sum3A_420 = tpu.scan <sum>, %add3A_412 masked %reduce_sum3A_419 : vector<16xf32>, vector<16xi1> -> vector<16xf32>
        %reduce_sum3A_421 = vector.extract %reduce_sum3A_420[15] : f32 from vector<16xf32>
        %broadcast_in_dim3A = vector.broadcast %reduce_sum3A_421 : f32 to vector<16xf32>
        %max3A = arith.constant 1.000000e-24 : f32
        %max3A_422 = vector.broadcast %max3A : f32 to vector<16xf32>
        %max3A_423 = arith.maximumf %broadcast_in_dim3A, %max3A_422 : vector<16xf32>
        %div3A = arith.constant 1.000000e+00 : f32
        %div3A_424 = vector.broadcast %div3A : f32 to vector<16xf32>
        %div3A_425 = arith.divf %div3A_424, %max3A_423 : vector<16xf32>
        %reduce_sum3A_426 = arith.constant true
        %reduce_sum3A_427 = vector.broadcast %reduce_sum3A_426 : i1 to vector<16xi1>
        %reduce_sum3A_428 = tpu.scan <sum>, %add3A_414 masked %reduce_sum3A_427 : vector<16xf32>, vector<16xi1> -> vector<16xf32>
        %reduce_sum3A_429 = vector.extract %reduce_sum3A_428[15] : f32 from vector<16xf32>
        %broadcast_in_dim3A_430 = vector.broadcast %reduce_sum3A_429 : f32 to vector<16xf32>
        %mul3A_431 = arith.mulf %broadcast_in_dim3A_430, %div3A_425 : vector<16xf32>
        %reduce_sum3A_432 = arith.constant true
        %reduce_sum3A_433 = vector.broadcast %reduce_sum3A_432 : i1 to vector<16xi1>
        %reduce_sum3A_434 = tpu.scan <sum>, %add3A_416 masked %reduce_sum3A_433 : vector<16xf32>, vector<16xi1> -> vector<16xf32>
        %reduce_sum3A_435 = vector.extract %reduce_sum3A_434[15] : f32 from vector<16xf32>
        %broadcast_in_dim3A_436 = vector.broadcast %reduce_sum3A_435 : f32 to vector<16xf32>
        %mul3A_437 = arith.mulf %broadcast_in_dim3A_436, %div3A_425 : vector<16xf32>
        %reduce_sum3A_438 = arith.constant true
        %reduce_sum3A_439 = vector.broadcast %reduce_sum3A_438 : i1 to vector<16xi1>
        %reduce_sum3A_440 = tpu.scan <sum>, %add3A_418 masked %reduce_sum3A_439 : vector<16xf32>, vector<16xi1> -> vector<16xf32>
        %reduce_sum3A_441 = vector.extract %reduce_sum3A_440[15] : f32 from vector<16xf32>
        %broadcast_in_dim3A_442 = vector.broadcast %reduce_sum3A_441 : f32 to vector<16xf32>
        %mul3A_443 = arith.mulf %broadcast_in_dim3A_442, %div3A_425 : vector<16xf32>
        %mul3A_444 = arith.mulf %mul3A_431, %get3A_265 : vector<16xf32>
        %sub3A = arith.subf %get3A_289, %mul3A_444 : vector<16xf32>
        %swap3A = arith.index_cast %scan3A_262 : i32 to index
        %swap3A_445 = arith.constant 0 : index
        %swap3A_446 = tpu.vector_load %arg12[%swap3A, %swap3A_445] {strides = array<i32>} : memref<64x128xf32, #tpu.memory_space<vmem>>, vector<16xf32>,
        tpu.vector_store %arg12[%swap3A, %swap3A_445], %sub3A {strides = array<i32>} : memref<64x128xf32, #tpu.memory_space<vmem>>, vector<16xf32>,
        %mul3A_447 = arith.mulf %mul3A_437, %get3A_265 : vector<16xf32>
        %sub3A_448 = arith.subf %get3A_313, %mul3A_447 : vector<16xf32>
        %swap3A_449 = arith.index_cast %scan3A_262 : i32 to index
        %swap3A_450 = arith.constant 0 : index
        %swap3A_451 = tpu.vector_load %arg13[%swap3A_449, %swap3A_450] {strides = array<i32>} : memref<64x128xf32, #tpu.memory_space<vmem>>, vector<16xf32>,
        tpu.vector_store %arg13[%swap3A_449, %swap3A_450], %sub3A_448 {strides = array<i32>} : memref<64x128xf32, #tpu.memory_space<vmem>>, vector<16xf32>,
        %mul3A_452 = arith.mulf %mul3A_443, %get3A_265 : vector<16xf32>
        %sub3A_453 = arith.subf %get3A_337, %mul3A_452 : vector<16xf32>
        %swap3A_454 = arith.index_cast %scan3A_262 : i32 to index
        %swap3A_455 = arith.constant 0 : index
        %swap3A_456 = tpu.vector_load %arg14[%swap3A_454, %swap3A_455] {strides = array<i32>} : memref<64x128xf32, #tpu.memory_space<vmem>>, vector<16xf32>,
        tpu.vector_store %arg14[%swap3A_454, %swap3A_455], %sub3A_453 {strides = array<i32>} : memref<64x128xf32, #tpu.memory_space<vmem>>, vector<16xf32>,
        %mul3A_457 = arith.mulf %mul3A_431, %get3A_268 : vector<16xf32>
        %sub3A_458 = arith.subf %get3A_292, %mul3A_457 : vector<16xf32>
        %swap3A_459 = arith.index_cast %scan3A_262 : i32 to index
        %swap3A_460 = arith.constant 16 : index
        %swap3A_461 = tpu.vector_load %arg12[%swap3A_459, %swap3A_460] {strides = array<i32>} : memref<64x128xf32, #tpu.memory_space<vmem>>, vector<16xf32>,
        tpu.vector_store %arg12[%swap3A_459, %swap3A_460], %sub3A_458 {strides = array<i32>} : memref<64x128xf32, #tpu.memory_space<vmem>>, vector<16xf32>,
        %mul3A_462 = arith.mulf %mul3A_437, %get3A_268 : vector<16xf32>
        %sub3A_463 = arith.subf %get3A_316, %mul3A_462 : vector<16xf32>
        %swap3A_464 = arith.index_cast %scan3A_262 : i32 to index
        %swap3A_465 = arith.constant 16 : index
        %swap3A_466 = tpu.vector_load %arg13[%swap3A_464, %swap3A_465] {strides = array<i32>} : memref<64x128xf32, #tpu.memory_space<vmem>>, vector<16xf32>,
        tpu.vector_store %arg13[%swap3A_464, %swap3A_465], %sub3A_463 {strides = array<i32>} : memref<64x128xf32, #tpu.memory_space<vmem>>, vector<16xf32>,
        %mul3A_467 = arith.mulf %mul3A_443, %get3A_268 : vector<16xf32>
        %sub3A_468 = arith.subf %get3A_340, %mul3A_467 : vector<16xf32>
        %swap3A_469 = arith.index_cast %scan3A_262 : i32 to index
        %swap3A_470 = arith.constant 16 : index
        %swap3A_471 = tpu.vector_load %arg14[%swap3A_469, %swap3A_470] {strides = array<i32>} : memref<64x128xf32, #tpu.memory_space<vmem>>, vector<16xf32>,
        tpu.vector_store %arg14[%swap3A_469, %swap3A_470], %sub3A_468 {strides = array<i32>} : memref<64x128xf32, #tpu.memory_space<vmem>>, vector<16xf32>,
        %mul3A_472 = arith.mulf %mul3A_431, %get3A_271 : vector<16xf32>
        %sub3A_473 = arith.subf %get3A_295, %mul3A_472 : vector<16xf32>
        %swap3A_474 = arith.index_cast %scan3A_262 : i32 to index
        %swap3A_475 = arith.constant 32 : index
        %swap3A_476 = tpu.vector_load %arg12[%swap3A_474, %swap3A_475] {strides = array<i32>} : memref<64x128xf32, #tpu.memory_space<vmem>>, vector<16xf32>,
        tpu.vector_store %arg12[%swap3A_474, %swap3A_475], %sub3A_473 {strides = array<i32>} : memref<64x128xf32, #tpu.memory_space<vmem>>, vector<16xf32>,
        %mul3A_477 = arith.mulf %mul3A_437, %get3A_271 : vector<16xf32>
        %sub3A_478 = arith.subf %get3A_319, %mul3A_477 : vector<16xf32>
        %swap3A_479 = arith.index_cast %scan3A_262 : i32 to index
        %swap3A_480 = arith.constant 32 : index
        %swap3A_481 = tpu.vector_load %arg13[%swap3A_479, %swap3A_480] {strides = array<i32>} : memref<64x128xf32, #tpu.memory_space<vmem>>, vector<16xf32>,
        tpu.vector_store %arg13[%swap3A_479, %swap3A_480], %sub3A_478 {strides = array<i32>} : memref<64x128xf32, #tpu.memory_space<vmem>>, vector<16xf32>,
        %mul3A_482 = arith.mulf %mul3A_443, %get3A_271 : vector<16xf32>
        %sub3A_483 = arith.subf %get3A_343, %mul3A_482 : vector<16xf32>
        %swap3A_484 = arith.index_cast %scan3A_262 : i32 to index
        %swap3A_485 = arith.constant 32 : index
        %swap3A_486 = tpu.vector_load %arg14[%swap3A_484, %swap3A_485] {strides = array<i32>} : memref<64x128xf32, #tpu.memory_space<vmem>>, vector<16xf32>,
        tpu.vector_store %arg14[%swap3A_484, %swap3A_485], %sub3A_483 {strides = array<i32>} : memref<64x128xf32, #tpu.memory_space<vmem>>, vector<16xf32>,
        %mul3A_487 = arith.mulf %mul3A_431, %get3A_274 : vector<16xf32>
        %sub3A_488 = arith.subf %get3A_298, %mul3A_487 : vector<16xf32>
        %swap3A_489 = arith.index_cast %scan3A_262 : i32 to index
        %swap3A_490 = arith.constant 48 : index
        %swap3A_491 = tpu.vector_load %arg12[%swap3A_489, %swap3A_490] {strides = array<i32>} : memref<64x128xf32, #tpu.memory_space<vmem>>, vector<16xf32>,
        tpu.vector_store %arg12[%swap3A_489, %swap3A_490], %sub3A_488 {strides = array<i32>} : memref<64x128xf32, #tpu.memory_space<vmem>>, vector<16xf32>,
        %mul3A_492 = arith.mulf %mul3A_437, %get3A_274 : vector<16xf32>
        %sub3A_493 = arith.subf %get3A_322, %mul3A_492 : vector<16xf32>
        %swap3A_494 = arith.index_cast %scan3A_262 : i32 to index
        %swap3A_495 = arith.constant 48 : index
        %swap3A_496 = tpu.vector_load %arg13[%swap3A_494, %swap3A_495] {strides = array<i32>} : memref<64x128xf32, #tpu.memory_space<vmem>>, vector<16xf32>,
        tpu.vector_store %arg13[%swap3A_494, %swap3A_495], %sub3A_493 {strides = array<i32>} : memref<64x128xf32, #tpu.memory_space<vmem>>, vector<16xf32>,
        %mul3A_497 = arith.mulf %mul3A_443, %get3A_274 : vector<16xf32>
        %sub3A_498 = arith.subf %get3A_346, %mul3A_497 : vector<16xf32>
        %swap3A_499 = arith.index_cast %scan3A_262 : i32 to index
        %swap3A_500 = arith.constant 48 : index
        %swap3A_501 = tpu.vector_load %arg14[%swap3A_499, %swap3A_500] {strides = array<i32>} : memref<64x128xf32, #tpu.memory_space<vmem>>, vector<16xf32>,
        tpu.vector_store %arg14[%swap3A_499, %swap3A_500], %sub3A_498 {strides = array<i32>} : memref<64x128xf32, #tpu.memory_space<vmem>>, vector<16xf32>,
        %mul3A_502 = arith.mulf %mul3A_431, %get3A_277 : vector<16xf32>
        %sub3A_503 = arith.subf %get3A_301, %mul3A_502 : vector<16xf32>
        %swap3A_504 = arith.index_cast %scan3A_262 : i32 to index
        %swap3A_505 = arith.constant 64 : index
        %swap3A_506 = tpu.vector_load %arg12[%swap3A_504, %swap3A_505] {strides = array<i32>} : memref<64x128xf32, #tpu.memory_space<vmem>>, vector<16xf32>,
        tpu.vector_store %arg12[%swap3A_504, %swap3A_505], %sub3A_503 {strides = array<i32>} : memref<64x128xf32, #tpu.memory_space<vmem>>, vector<16xf32>,
        %mul3A_507 = arith.mulf %mul3A_437, %get3A_277 : vector<16xf32>
        %sub3A_508 = arith.subf %get3A_325, %mul3A_507 : vector<16xf32>
        %swap3A_509 = arith.index_cast %scan3A_262 : i32 to index
        %swap3A_510 = arith.constant 64 : index
        %swap3A_511 = tpu.vector_load %arg13[%swap3A_509, %swap3A_510] {strides = array<i32>} : memref<64x128xf32, #tpu.memory_space<vmem>>, vector<16xf32>,
        tpu.vector_store %arg13[%swap3A_509, %swap3A_510], %sub3A_508 {strides = array<i32>} : memref<64x128xf32, #tpu.memory_space<vmem>>, vector<16xf32>,
        %mul3A_512 = arith.mulf %mul3A_443, %get3A_277 : vector<16xf32>
        %sub3A_513 = arith.subf %get3A_349, %mul3A_512 : vector<16xf32>
        %swap3A_514 = arith.index_cast %scan3A_262 : i32 to index
        %swap3A_515 = arith.constant 64 : index
        %swap3A_516 = tpu.vector_load %arg14[%swap3A_514, %swap3A_515] {strides = array<i32>} : memref<64x128xf32, #tpu.memory_space<vmem>>, vector<16xf32>,
        tpu.vector_store %arg14[%swap3A_514, %swap3A_515], %sub3A_513 {strides = array<i32>} : memref<64x128xf32, #tpu.memory_space<vmem>>, vector<16xf32>,
        %mul3A_517 = arith.mulf %mul3A_431, %get3A_280 : vector<16xf32>
        %sub3A_518 = arith.subf %get3A_304, %mul3A_517 : vector<16xf32>
        %swap3A_519 = arith.index_cast %scan3A_262 : i32 to index
        %swap3A_520 = arith.constant 80 : index
        %swap3A_521 = tpu.vector_load %arg12[%swap3A_519, %swap3A_520] {strides = array<i32>} : memref<64x128xf32, #tpu.memory_space<vmem>>, vector<16xf32>,
        tpu.vector_store %arg12[%swap3A_519, %swap3A_520], %sub3A_518 {strides = array<i32>} : memref<64x128xf32, #tpu.memory_space<vmem>>, vector<16xf32>,
        %mul3A_522 = arith.mulf %mul3A_437, %get3A_280 : vector<16xf32>
        %sub3A_523 = arith.subf %get3A_328, %mul3A_522 : vector<16xf32>
        %swap3A_524 = arith.index_cast %scan3A_262 : i32 to index
        %swap3A_525 = arith.constant 80 : index
        %swap3A_526 = tpu.vector_load %arg13[%swap3A_524, %swap3A_525] {strides = array<i32>} : memref<64x128xf32, #tpu.memory_space<vmem>>, vector<16xf32>,
        tpu.vector_store %arg13[%swap3A_524, %swap3A_525], %sub3A_523 {strides = array<i32>} : memref<64x128xf32, #tpu.memory_space<vmem>>, vector<16xf32>,
        %mul3A_527 = arith.mulf %mul3A_443, %get3A_280 : vector<16xf32>
        %sub3A_528 = arith.subf %get3A_352, %mul3A_527 : vector<16xf32>
        %swap3A_529 = arith.index_cast %scan3A_262 : i32 to index
        %swap3A_530 = arith.constant 80 : index
        %swap3A_531 = tpu.vector_load %arg14[%swap3A_529, %swap3A_530] {strides = array<i32>} : memref<64x128xf32, #tpu.memory_space<vmem>>, vector<16xf32>,
        tpu.vector_store %arg14[%swap3A_529, %swap3A_530], %sub3A_528 {strides = array<i32>} : memref<64x128xf32, #tpu.memory_space<vmem>>, vector<16xf32>,
        %mul3A_532 = arith.mulf %mul3A_431, %get3A_283 : vector<16xf32>
        %sub3A_533 = arith.subf %get3A_307, %mul3A_532 : vector<16xf32>
        %swap3A_534 = arith.index_cast %scan3A_262 : i32 to index
        %swap3A_535 = arith.constant 96 : index
        %swap3A_536 = tpu.vector_load %arg12[%swap3A_534, %swap3A_535] {strides = array<i32>} : memref<64x128xf32, #tpu.memory_space<vmem>>, vector<16xf32>,
        tpu.vector_store %arg12[%swap3A_534, %swap3A_535], %sub3A_533 {strides = array<i32>} : memref<64x128xf32, #tpu.memory_space<vmem>>, vector<16xf32>,
        %mul3A_537 = arith.mulf %mul3A_437, %get3A_283 : vector<16xf32>
        %sub3A_538 = arith.subf %get3A_331, %mul3A_537 : vector<16xf32>
        %swap3A_539 = arith.index_cast %scan3A_262 : i32 to index
        %swap3A_540 = arith.constant 96 : index
        %swap3A_541 = tpu.vector_load %arg13[%swap3A_539, %swap3A_540] {strides = array<i32>} : memref<64x128xf32, #tpu.memory_space<vmem>>, vector<16xf32>,
        tpu.vector_store %arg13[%swap3A_539, %swap3A_540], %sub3A_538 {strides = array<i32>} : memref<64x128xf32, #tpu.memory_space<vmem>>, vector<16xf32>,
        %mul3A_542 = arith.mulf %mul3A_443, %get3A_283 : vector<16xf32>
        %sub3A_543 = arith.subf %get3A_355, %mul3A_542 : vector<16xf32>
        %swap3A_544 = arith.index_cast %scan3A_262 : i32 to index
        %swap3A_545 = arith.constant 96 : index
        %swap3A_546 = tpu.vector_load %arg14[%swap3A_544, %swap3A_545] {strides = array<i32>} : memref<64x128xf32, #tpu.memory_space<vmem>>, vector<16xf32>,
        tpu.vector_store %arg14[%swap3A_544, %swap3A_545], %sub3A_543 {strides = array<i32>} : memref<64x128xf32, #tpu.memory_space<vmem>>, vector<16xf32>,
        %mul3A_547 = arith.mulf %mul3A_431, %get3A_286 : vector<16xf32>
        %sub3A_548 = arith.subf %get3A_310, %mul3A_547 : vector<16xf32>
        %swap3A_549 = arith.index_cast %scan3A_262 : i32 to index
        %swap3A_550 = arith.constant 112 : index
        %swap3A_551 = tpu.vector_load %arg12[%swap3A_549, %swap3A_550] {strides = array<i32>} : memref<64x128xf32, #tpu.memory_space<vmem>>, vector<16xf32>,
        tpu.vector_store %arg12[%swap3A_549, %swap3A_550], %sub3A_548 {strides = array<i32>} : memref<64x128xf32, #tpu.memory_space<vmem>>, vector<16xf32>,
        %mul3A_552 = arith.mulf %mul3A_437, %get3A_286 : vector<16xf32>
        %sub3A_553 = arith.subf %get3A_334, %mul3A_552 : vector<16xf32>
        %swap3A_554 = arith.index_cast %scan3A_262 : i32 to index
        %swap3A_555 = arith.constant 112 : index
        %swap3A_556 = tpu.vector_load %arg13[%swap3A_554, %swap3A_555] {strides = array<i32>} : memref<64x128xf32, #tpu.memory_space<vmem>>, vector<16xf32>,
        tpu.vector_store %arg13[%swap3A_554, %swap3A_555], %sub3A_553 {strides = array<i32>} : memref<64x128xf32, #tpu.memory_space<vmem>>, vector<16xf32>,
        %mul3A_557 = arith.mulf %mul3A_443, %get3A_286 : vector<16xf32>
        %sub3A_558 = arith.subf %get3A_358, %mul3A_557 : vector<16xf32>
        %swap3A_559 = arith.index_cast %scan3A_262 : i32 to index
        %swap3A_560 = arith.constant 112 : index
        %swap3A_561 = tpu.vector_load %arg14[%swap3A_559, %swap3A_560] {strides = array<i32>} : memref<64x128xf32, #tpu.memory_space<vmem>>, vector<16xf32>,
        tpu.vector_store %arg14[%swap3A_559, %swap3A_560], %sub3A_558 {strides = array<i32>} : memref<64x128xf32, #tpu.memory_space<vmem>>, vector<16xf32>,
        %scan3A_562 = arith.constant 0 : i32
        scf.yield %scan3A_562 : i32
      }
      %scan3A_183 = arith.constant 64 : i32
      %mul3A_184 = arith.constant 512 : i32
      %mul3A_185 = arith.muli %add3A, %mul3A_184 : i32
      %mul3A_186 = arith.constant 64 : i32
      %mul3A_187 = arith.muli %mul3A_120, %mul3A_186 : i32
      %add3A_188 = arith.addi %mul3A_185, %mul3A_187 : i32
      %dma_start3A_189 = arith.constant 0 : i32
      %dma_start3A_190 = tpu.memref_slice %arg6[%add3A_188, %dma_start3A_189] : memref<16384x128xf32, #tpu.memory_space<hbm>> -> memref<64x128xf32, #tpu.memory_space<hbm>>
      %dma_start3A_191 = arith.constant 0 : i32
      %dma_start3A_192 = tpu.memref_slice %arg6[%add3A_188, %dma_start3A_191] : memref<16384x128xf32, #tpu.memory_space<hbm>> -> memref<64x128xf32, #tpu.memory_space<hbm>>
      tpu.enqueue_dma source(%arg12 : memref<64x128xf32, #tpu.memory_space<vmem>>) target(%dma_start3A_192 : memref<64x128xf32, #tpu.memory_space<hbm>>) target_semaphore(%arg22 : memref<!tpu.dma_semaphore, #tpu.memory_space<semaphore_mem>>)
      %dma_start3A_193 = arith.constant 0 : i32
      %dma_start3A_194 = tpu.memref_slice %arg7[%add3A_188, %dma_start3A_193] : memref<16384x128xf32, #tpu.memory_space<hbm>> -> memref<64x128xf32, #tpu.memory_space<hbm>>
      %dma_start3A_195 = arith.constant 0 : i32
      %dma_start3A_196 = tpu.memref_slice %arg7[%add3A_188, %dma_start3A_195] : memref<16384x128xf32, #tpu.memory_space<hbm>> -> memref<64x128xf32, #tpu.memory_space<hbm>>
      tpu.enqueue_dma source(%arg13 : memref<64x128xf32, #tpu.memory_space<vmem>>) target(%dma_start3A_196 : memref<64x128xf32, #tpu.memory_space<hbm>>) target_semaphore(%arg22 : memref<!tpu.dma_semaphore, #tpu.memory_space<semaphore_mem>>)
      %dma_start3A_197 = arith.constant 0 : i32
      %dma_start3A_198 = tpu.memref_slice %arg8[%add3A_188, %dma_start3A_197] : memref<16384x128xf32, #tpu.memory_space<hbm>> -> memref<64x128xf32, #tpu.memory_space<hbm>>
      %dma_start3A_199 = arith.constant 0 : i32
      %dma_start3A_200 = tpu.memref_slice %arg8[%add3A_188, %dma_start3A_199] : memref<16384x128xf32, #tpu.memory_space<hbm>> -> memref<64x128xf32, #tpu.memory_space<hbm>>
      tpu.enqueue_dma source(%arg14 : memref<64x128xf32, #tpu.memory_space<vmem>>) target(%dma_start3A_200 : memref<64x128xf32, #tpu.memory_space<hbm>>) target_semaphore(%arg22 : memref<!tpu.dma_semaphore, #tpu.memory_space<semaphore_mem>>)
      %add3A_201 = arith.constant 1 : i32
      %add3A_202 = arith.addi %scan3A_117, %add3A_201 : i32
      %lt3A = arith.constant 4 : i32
      %lt3A_203 = arith.cmpi slt, %add3A_202, %lt3A : i32
      %convert_element_type3A_204 = arith.extui %lt3A_203 : i1 to i32
      %cond3A_205 = arith.constant 0 : i32
      %cond3A_206 = arith.cmpi ne, %convert_element_type3A_204, %cond3A_205 : i32
      scf.if %cond3A_206 {
        %dma_wait3A_262 = arith.constant 0 : i32
        %dma_wait3A_263 = arith.constant 0 : i32
        %dma_wait3A_264 = tpu.memref_slice %arg6[%dma_wait3A_262, %dma_wait3A_263] : memref<16384x128xf32, #tpu.memory_space<hbm>> -> memref<64x128xf32, #tpu.memory_space<hbm>>
        %dma_wait3A_265 = arith.constant 0 : i32
        %dma_wait3A_266 = arith.constant 0 : i32
        %dma_wait3A_267 = tpu.memref_slice %arg6[%dma_wait3A_265, %dma_wait3A_266] : memref<16384x128xf32, #tpu.memory_space<hbm>> -> memref<64x128xf32, #tpu.memory_space<hbm>>
        tpu.wait_dma2 semaphore(%arg22 : memref<!tpu.dma_semaphore, #tpu.memory_space<semaphore_mem>>) src(%arg12 : memref<64x128xf32, #tpu.memory_space<vmem>>) dst(%dma_wait3A_267 : memref<64x128xf32, #tpu.memory_space<hbm>>)
        %dma_wait3A_268 = arith.constant 0 : i32
        %dma_wait3A_269 = arith.constant 0 : i32
        %dma_wait3A_270 = tpu.memref_slice %arg7[%dma_wait3A_268, %dma_wait3A_269] : memref<16384x128xf32, #tpu.memory_space<hbm>> -> memref<64x128xf32, #tpu.memory_space<hbm>>
        %dma_wait3A_271 = arith.constant 0 : i32
        %dma_wait3A_272 = arith.constant 0 : i32
        %dma_wait3A_273 = tpu.memref_slice %arg7[%dma_wait3A_271, %dma_wait3A_272] : memref<16384x128xf32, #tpu.memory_space<hbm>> -> memref<64x128xf32, #tpu.memory_space<hbm>>
        tpu.wait_dma2 semaphore(%arg22 : memref<!tpu.dma_semaphore, #tpu.memory_space<semaphore_mem>>) src(%arg13 : memref<64x128xf32, #tpu.memory_space<vmem>>) dst(%dma_wait3A_273 : memref<64x128xf32, #tpu.memory_space<hbm>>)
        %dma_wait3A_274 = arith.constant 0 : i32
        %dma_wait3A_275 = arith.constant 0 : i32
        %dma_wait3A_276 = tpu.memref_slice %arg8[%dma_wait3A_274, %dma_wait3A_275] : memref<16384x128xf32, #tpu.memory_space<hbm>> -> memref<64x128xf32, #tpu.memory_space<hbm>>
        %dma_wait3A_277 = arith.constant 0 : i32
        %dma_wait3A_278 = arith.constant 0 : i32
        %dma_wait3A_279 = tpu.memref_slice %arg8[%dma_wait3A_277, %dma_wait3A_278] : memref<16384x128xf32, #tpu.memory_space<hbm>> -> memref<64x128xf32, #tpu.memory_space<hbm>>
        tpu.wait_dma2 semaphore(%arg22 : memref<!tpu.dma_semaphore, #tpu.memory_space<semaphore_mem>>) src(%arg14 : memref<64x128xf32, #tpu.memory_space<vmem>>) dst(%dma_wait3A_279 : memref<64x128xf32, #tpu.memory_space<hbm>>)
        %add3A_280 = arith.constant 2 : i32
        %add3A_281 = arith.addi %mul3A_120, %add3A_280 : i32
        %dma_start3A_282 = arith.constant 0 : i32
        %dma_start3A_283 = tpu.memref_slice %arg9[%add3A_281, %dma_start3A_282] : memref<8x64xi32, #tpu.memory_space<vmem>> -> memref<1x64xi32, #tpu.memory_space<vmem>>
        %dma_start3A_284 = tpu.memref_squeeze %dma_start3A_283 : memref<1x64xi32, #tpu.memory_space<vmem>> -> memref<64xi32, #tpu.memory_space<vmem>>
        %dma_start3A_285 = arith.constant 0 : i32
        %dma_start3A_286 = arith.constant 0 : i32
        %dma_start3A_287 = tpu.memref_slice %arg3[%dma_start3A_285, %dma_start3A_286] : memref<100000x128xf32, #tpu.memory_space<hbm>> -> memref<100000x128xf32, #tpu.memory_space<hbm>>
        tpu.enqueue_indirect_dma source(%dma_start3A_287 : memref<100000x128xf32, #tpu.memory_space<hbm>>) target(%arg12 : memref<64x128xf32, #tpu.memory_space<vmem>>) offsets(%dma_start3A_284 : memref<64xi32, #tpu.memory_space<vmem>>) semaphore(%arg20 : memref<!tpu.dma_semaphore, #tpu.memory_space<semaphore_mem>>)
        %dma_start3A_288 = arith.constant 0 : i32
        %dma_start3A_289 = tpu.memref_slice %arg10[%add3A_281, %dma_start3A_288] : memref<8x64xi32, #tpu.memory_space<vmem>> -> memref<1x64xi32, #tpu.memory_space<vmem>>
        %dma_start3A_290 = tpu.memref_squeeze %dma_start3A_289 : memref<1x64xi32, #tpu.memory_space<vmem>> -> memref<64xi32, #tpu.memory_space<vmem>>
        %dma_start3A_291 = arith.constant 0 : i32
        %dma_start3A_292 = arith.constant 0 : i32
        %dma_start3A_293 = tpu.memref_slice %arg4[%dma_start3A_291, %dma_start3A_292] : memref<100000x128xf32, #tpu.memory_space<hbm>> -> memref<100000x128xf32, #tpu.memory_space<hbm>>
        tpu.enqueue_indirect_dma source(%dma_start3A_293 : memref<100000x128xf32, #tpu.memory_space<hbm>>) target(%arg13 : memref<64x128xf32, #tpu.memory_space<vmem>>) offsets(%dma_start3A_290 : memref<64xi32, #tpu.memory_space<vmem>>) semaphore(%arg20 : memref<!tpu.dma_semaphore, #tpu.memory_space<semaphore_mem>>)
        %dma_start3A_294 = arith.constant 0 : i32
        %dma_start3A_295 = tpu.memref_slice %arg11[%add3A_281, %dma_start3A_294] : memref<8x64xi32, #tpu.memory_space<vmem>> -> memref<1x64xi32, #tpu.memory_space<vmem>>
        %dma_start3A_296 = tpu.memref_squeeze %dma_start3A_295 : memref<1x64xi32, #tpu.memory_space<vmem>> -> memref<64xi32, #tpu.memory_space<vmem>>
        %dma_start3A_297 = arith.constant 0 : i32
        %dma_start3A_298 = arith.constant 0 : i32
        %dma_start3A_299 = tpu.memref_slice %arg3[%dma_start3A_297, %dma_start3A_298] : memref<100000x128xf32, #tpu.memory_space<hbm>> -> memref<100000x128xf32, #tpu.memory_space<hbm>>
        tpu.enqueue_indirect_dma source(%dma_start3A_299 : memref<100000x128xf32, #tpu.memory_space<hbm>>) target(%arg14 : memref<64x128xf32, #tpu.memory_space<vmem>>) offsets(%dma_start3A_296 : memref<64xi32, #tpu.memory_space<vmem>>) semaphore(%arg20 : memref<!tpu.dma_semaphore, #tpu.memory_space<semaphore_mem>>)
        %dma_start3A_300 = arith.constant 0 : i32
        %dma_start3A_301 = tpu.memref_slice %arg10[%add3A_281, %dma_start3A_300] : memref<8x64xi32, #tpu.memory_space<vmem>> -> memref<1x64xi32, #tpu.memory_space<vmem>>
        %dma_start3A_302 = tpu.memref_squeeze %dma_start3A_301 : memref<1x64xi32, #tpu.memory_space<vmem>> -> memref<64xi32, #tpu.memory_space<vmem>>
        %dma_start3A_303 = arith.constant 0 : i32
        %dma_start3A_304 = arith.constant 0 : i32
        %dma_start3A_305 = tpu.memref_slice %arg5[%dma_start3A_303, %dma_start3A_304] : memref<100000x128xf32, #tpu.memory_space<hbm>> -> memref<100000x128xf32, #tpu.memory_space<hbm>>
        tpu.enqueue_indirect_dma source(%dma_start3A_305 : memref<100000x128xf32, #tpu.memory_space<hbm>>) target(%arg15 : memref<64x128xf32, #tpu.memory_space<vmem>>) offsets(%dma_start3A_302 : memref<64xi32, #tpu.memory_space<vmem>>) semaphore(%arg20 : memref<!tpu.dma_semaphore, #tpu.memory_space<semaphore_mem>>)
      } else {
      }
      %dma_wait3A_207 = arith.constant 0 : i32
      %dma_wait3A_208 = arith.constant 0 : i32
      %dma_wait3A_209 = tpu.memref_slice %arg9[%dma_wait3A_207, %dma_wait3A_208] : memref<8x64xi32, #tpu.memory_space<vmem>> -> memref<1x64xi32, #tpu.memory_space<vmem>>
      %dma_wait3A_210 = tpu.memref_squeeze %dma_wait3A_209 : memref<1x64xi32, #tpu.memory_space<vmem>> -> memref<64xi32, #tpu.memory_space<vmem>>
      %dma_wait3A_211 = arith.constant 0 : i32
      %dma_wait3A_212 = arith.constant 0 : i32
      %dma_wait3A_213 = tpu.memref_slice %arg3[%dma_wait3A_211, %dma_wait3A_212] : memref<100000x128xf32, #tpu.memory_space<hbm>> -> memref<100000x128xf32, #tpu.memory_space<hbm>>
      tpu.wait_indirect_dma semaphore(%arg21 : memref<!tpu.dma_semaphore, #tpu.memory_space<semaphore_mem>>) src(%dma_wait3A_213 : memref<100000x128xf32, #tpu.memory_space<hbm>>) dst(%arg16 : memref<64x128xf32, #tpu.memory_space<vmem>>)
      %dma_wait3A_214 = arith.constant 0 : i32
      %dma_wait3A_215 = arith.constant 0 : i32
      %dma_wait3A_216 = tpu.memref_slice %arg10[%dma_wait3A_214, %dma_wait3A_215] : memref<8x64xi32, #tpu.memory_space<vmem>> -> memref<1x64xi32, #tpu.memory_space<vmem>>
      %dma_wait3A_217 = tpu.memref_squeeze %dma_wait3A_216 : memref<1x64xi32, #tpu.memory_space<vmem>> -> memref<64xi32, #tpu.memory_space<vmem>>
      %dma_wait3A_218 = arith.constant 0 : i32
      %dma_wait3A_219 = arith.constant 0 : i32
      %dma_wait3A_220 = tpu.memref_slice %arg4[%dma_wait3A_218, %dma_wait3A_219] : memref<100000x128xf32, #tpu.memory_space<hbm>> -> memref<100000x128xf32, #tpu.memory_space<hbm>>
      tpu.wait_indirect_dma semaphore(%arg21 : memref<!tpu.dma_semaphore, #tpu.memory_space<semaphore_mem>>) src(%dma_wait3A_220 : memref<100000x128xf32, #tpu.memory_space<hbm>>) dst(%arg17 : memref<64x128xf32, #tpu.memory_space<vmem>>)
      %dma_wait3A_221 = arith.constant 0 : i32
      %dma_wait3A_222 = arith.constant 0 : i32
      %dma_wait3A_223 = tpu.memref_slice %arg11[%dma_wait3A_221, %dma_wait3A_222] : memref<8x64xi32, #tpu.memory_space<vmem>> -> memref<1x64xi32, #tpu.memory_space<vmem>>
      %dma_wait3A_224 = tpu.memref_squeeze %dma_wait3A_223 : memref<1x64xi32, #tpu.memory_space<vmem>> -> memref<64xi32, #tpu.memory_space<vmem>>
      %dma_wait3A_225 = arith.constant 0 : i32
      %dma_wait3A_226 = arith.constant 0 : i32
      %dma_wait3A_227 = tpu.memref_slice %arg3[%dma_wait3A_225, %dma_wait3A_226] : memref<100000x128xf32, #tpu.memory_space<hbm>> -> memref<100000x128xf32, #tpu.memory_space<hbm>>
      tpu.wait_indirect_dma semaphore(%arg21 : memref<!tpu.dma_semaphore, #tpu.memory_space<semaphore_mem>>) src(%dma_wait3A_227 : memref<100000x128xf32, #tpu.memory_space<hbm>>) dst(%arg18 : memref<64x128xf32, #tpu.memory_space<vmem>>)
      %dma_wait3A_228 = arith.constant 0 : i32
      %dma_wait3A_229 = arith.constant 0 : i32
      %dma_wait3A_230 = tpu.memref_slice %arg10[%dma_wait3A_228, %dma_wait3A_229] : memref<8x64xi32, #tpu.memory_space<vmem>> -> memref<1x64xi32, #tpu.memory_space<vmem>>
      %dma_wait3A_231 = tpu.memref_squeeze %dma_wait3A_230 : memref<1x64xi32, #tpu.memory_space<vmem>> -> memref<64xi32, #tpu.memory_space<vmem>>
      %dma_wait3A_232 = arith.constant 0 : i32
      %dma_wait3A_233 = arith.constant 0 : i32
      %dma_wait3A_234 = tpu.memref_slice %arg5[%dma_wait3A_232, %dma_wait3A_233] : memref<100000x128xf32, #tpu.memory_space<hbm>> -> memref<100000x128xf32, #tpu.memory_space<hbm>>
      tpu.wait_indirect_dma semaphore(%arg21 : memref<!tpu.dma_semaphore, #tpu.memory_space<semaphore_mem>>) src(%dma_wait3A_234 : memref<100000x128xf32, #tpu.memory_space<hbm>>) dst(%arg19 : memref<64x128xf32, #tpu.memory_space<vmem>>)
      %scan3A_235 = arith.constant 0 : i32
      %scan3A_236 = arith.constant 0 : i32
      %scan3A_237 = arith.constant 64 : i32
      %scan3A_238 = arith.addi %scan3A_236, %scan3A_237 : i32
      %scan3A_239 = arith.constant 1 : i32
      %scan3A_240 = scf.for %scan3A_262 = %scan3A_236 to %scan3A_238 step %scan3A_239 iter_args(%scan3A_263 = %scan3A_235) -> (i32)  : i32 {
        %get3A = arith.index_cast %scan3A_262 : i32 to index
        %get3A_264 = arith.constant 0 : index
        %get3A_265 = tpu.vector_load %arg19[%get3A, %get3A_264] {strides = array<i32>} : memref<64x128xf32, #tpu.memory_space<vmem>>, vector<16xf32>,
        %get3A_266 = arith.index_cast %scan3A_262 : i32 to index
        %get3A_267 = arith.constant 16 : index
        %get3A_268 = tpu.vector_load %arg19[%get3A_266, %get3A_267] {strides = array<i32>} : memref<64x128xf32, #tpu.memory_space<vmem>>, vector<16xf32>,
        %get3A_269 = arith.index_cast %scan3A_262 : i32 to index
        %get3A_270 = arith.constant 32 : index
        %get3A_271 = tpu.vector_load %arg19[%get3A_269, %get3A_270] {strides = array<i32>} : memref<64x128xf32, #tpu.memory_space<vmem>>, vector<16xf32>,
        %get3A_272 = arith.index_cast %scan3A_262 : i32 to index
        %get3A_273 = arith.constant 48 : index
        %get3A_274 = tpu.vector_load %arg19[%get3A_272, %get3A_273] {strides = array<i32>} : memref<64x128xf32, #tpu.memory_space<vmem>>, vector<16xf32>,
        %get3A_275 = arith.index_cast %scan3A_262 : i32 to index
        %get3A_276 = arith.constant 64 : index
        %get3A_277 = tpu.vector_load %arg19[%get3A_275, %get3A_276] {strides = array<i32>} : memref<64x128xf32, #tpu.memory_space<vmem>>, vector<16xf32>,
        %get3A_278 = arith.index_cast %scan3A_262 : i32 to index
        %get3A_279 = arith.constant 80 : index
        %get3A_280 = tpu.vector_load %arg19[%get3A_278, %get3A_279] {strides = array<i32>} : memref<64x128xf32, #tpu.memory_space<vmem>>, vector<16xf32>,
        %get3A_281 = arith.index_cast %scan3A_262 : i32 to index
        %get3A_282 = arith.constant 96 : index
        %get3A_283 = tpu.vector_load %arg19[%get3A_281, %get3A_282] {strides = array<i32>} : memref<64x128xf32, #tpu.memory_space<vmem>>, vector<16xf32>,
        %get3A_284 = arith.index_cast %scan3A_262 : i32 to index
        %get3A_285 = arith.constant 112 : index
        %get3A_286 = tpu.vector_load %arg19[%get3A_284, %get3A_285] {strides = array<i32>} : memref<64x128xf32, #tpu.memory_space<vmem>>, vector<16xf32>,
        %get3A_287 = arith.index_cast %scan3A_262 : i32 to index
        %get3A_288 = arith.constant 0 : index
        %get3A_289 = tpu.vector_load %arg16[%get3A_287, %get3A_288] {strides = array<i32>} : memref<64x128xf32, #tpu.memory_space<vmem>>, vector<16xf32>,
        %get3A_290 = arith.index_cast %scan3A_262 : i32 to index
        %get3A_291 = arith.constant 16 : index
        %get3A_292 = tpu.vector_load %arg16[%get3A_290, %get3A_291] {strides = array<i32>} : memref<64x128xf32, #tpu.memory_space<vmem>>, vector<16xf32>,
        %get3A_293 = arith.index_cast %scan3A_262 : i32 to index
        %get3A_294 = arith.constant 32 : index
        %get3A_295 = tpu.vector_load %arg16[%get3A_293, %get3A_294] {strides = array<i32>} : memref<64x128xf32, #tpu.memory_space<vmem>>, vector<16xf32>,
        %get3A_296 = arith.index_cast %scan3A_262 : i32 to index
        %get3A_297 = arith.constant 48 : index
        %get3A_298 = tpu.vector_load %arg16[%get3A_296, %get3A_297] {strides = array<i32>} : memref<64x128xf32, #tpu.memory_space<vmem>>, vector<16xf32>,
        %get3A_299 = arith.index_cast %scan3A_262 : i32 to index
        %get3A_300 = arith.constant 64 : index
        %get3A_301 = tpu.vector_load %arg16[%get3A_299, %get3A_300] {strides = array<i32>} : memref<64x128xf32, #tpu.memory_space<vmem>>, vector<16xf32>,
        %get3A_302 = arith.index_cast %scan3A_262 : i32 to index
        %get3A_303 = arith.constant 80 : index
        %get3A_304 = tpu.vector_load %arg16[%get3A_302, %get3A_303] {strides = array<i32>} : memref<64x128xf32, #tpu.memory_space<vmem>>, vector<16xf32>,
        %get3A_305 = arith.index_cast %scan3A_262 : i32 to index
        %get3A_306 = arith.constant 96 : index
        %get3A_307 = tpu.vector_load %arg16[%get3A_305, %get3A_306] {strides = array<i32>} : memref<64x128xf32, #tpu.memory_space<vmem>>, vector<16xf32>,
        %get3A_308 = arith.index_cast %scan3A_262 : i32 to index
        %get3A_309 = arith.constant 112 : index
        %get3A_310 = tpu.vector_load %arg16[%get3A_308, %get3A_309] {strides = array<i32>} : memref<64x128xf32, #tpu.memory_space<vmem>>, vector<16xf32>,
        %get3A_311 = arith.index_cast %scan3A_262 : i32 to index
        %get3A_312 = arith.constant 0 : index
        %get3A_313 = tpu.vector_load %arg17[%get3A_311, %get3A_312] {strides = array<i32>} : memref<64x128xf32, #tpu.memory_space<vmem>>, vector<16xf32>,
        %get3A_314 = arith.index_cast %scan3A_262 : i32 to index
        %get3A_315 = arith.constant 16 : index
        %get3A_316 = tpu.vector_load %arg17[%get3A_314, %get3A_315] {strides = array<i32>} : memref<64x128xf32, #tpu.memory_space<vmem>>, vector<16xf32>,
        %get3A_317 = arith.index_cast %scan3A_262 : i32 to index
        %get3A_318 = arith.constant 32 : index
        %get3A_319 = tpu.vector_load %arg17[%get3A_317, %get3A_318] {strides = array<i32>} : memref<64x128xf32, #tpu.memory_space<vmem>>, vector<16xf32>,
        %get3A_320 = arith.index_cast %scan3A_262 : i32 to index
        %get3A_321 = arith.constant 48 : index
        %get3A_322 = tpu.vector_load %arg17[%get3A_320, %get3A_321] {strides = array<i32>} : memref<64x128xf32, #tpu.memory_space<vmem>>, vector<16xf32>,
        %get3A_323 = arith.index_cast %scan3A_262 : i32 to index
        %get3A_324 = arith.constant 64 : index
        %get3A_325 = tpu.vector_load %arg17[%get3A_323, %get3A_324] {strides = array<i32>} : memref<64x128xf32, #tpu.memory_space<vmem>>, vector<16xf32>,
        %get3A_326 = arith.index_cast %scan3A_262 : i32 to index
        %get3A_327 = arith.constant 80 : index
        %get3A_328 = tpu.vector_load %arg17[%get3A_326, %get3A_327] {strides = array<i32>} : memref<64x128xf32, #tpu.memory_space<vmem>>, vector<16xf32>,
        %get3A_329 = arith.index_cast %scan3A_262 : i32 to index
        %get3A_330 = arith.constant 96 : index
        %get3A_331 = tpu.vector_load %arg17[%get3A_329, %get3A_330] {strides = array<i32>} : memref<64x128xf32, #tpu.memory_space<vmem>>, vector<16xf32>,
        %get3A_332 = arith.index_cast %scan3A_262 : i32 to index
        %get3A_333 = arith.constant 112 : index
        %get3A_334 = tpu.vector_load %arg17[%get3A_332, %get3A_333] {strides = array<i32>} : memref<64x128xf32, #tpu.memory_space<vmem>>, vector<16xf32>,
        %get3A_335 = arith.index_cast %scan3A_262 : i32 to index
        %get3A_336 = arith.constant 0 : index
        %get3A_337 = tpu.vector_load %arg18[%get3A_335, %get3A_336] {strides = array<i32>} : memref<64x128xf32, #tpu.memory_space<vmem>>, vector<16xf32>,
        %get3A_338 = arith.index_cast %scan3A_262 : i32 to index
        %get3A_339 = arith.constant 16 : index
        %get3A_340 = tpu.vector_load %arg18[%get3A_338, %get3A_339] {strides = array<i32>} : memref<64x128xf32, #tpu.memory_space<vmem>>, vector<16xf32>,
        %get3A_341 = arith.index_cast %scan3A_262 : i32 to index
        %get3A_342 = arith.constant 32 : index
        %get3A_343 = tpu.vector_load %arg18[%get3A_341, %get3A_342] {strides = array<i32>} : memref<64x128xf32, #tpu.memory_space<vmem>>, vector<16xf32>,
        %get3A_344 = arith.index_cast %scan3A_262 : i32 to index
        %get3A_345 = arith.constant 48 : index
        %get3A_346 = tpu.vector_load %arg18[%get3A_344, %get3A_345] {strides = array<i32>} : memref<64x128xf32, #tpu.memory_space<vmem>>, vector<16xf32>,
        %get3A_347 = arith.index_cast %scan3A_262 : i32 to index
        %get3A_348 = arith.constant 64 : index
        %get3A_349 = tpu.vector_load %arg18[%get3A_347, %get3A_348] {strides = array<i32>} : memref<64x128xf32, #tpu.memory_space<vmem>>, vector<16xf32>,
        %get3A_350 = arith.index_cast %scan3A_262 : i32 to index
        %get3A_351 = arith.constant 80 : index
        %get3A_352 = tpu.vector_load %arg18[%get3A_350, %get3A_351] {strides = array<i32>} : memref<64x128xf32, #tpu.memory_space<vmem>>, vector<16xf32>,
        %get3A_353 = arith.index_cast %scan3A_262 : i32 to index
        %get3A_354 = arith.constant 96 : index
        %get3A_355 = tpu.vector_load %arg18[%get3A_353, %get3A_354] {strides = array<i32>} : memref<64x128xf32, #tpu.memory_space<vmem>>, vector<16xf32>,
        %get3A_356 = arith.index_cast %scan3A_262 : i32 to index
        %get3A_357 = arith.constant 112 : index
        %get3A_358 = tpu.vector_load %arg18[%get3A_356, %get3A_357] {strides = array<i32>} : memref<64x128xf32, #tpu.memory_space<vmem>>, vector<16xf32>,
        %mul3A_359 = arith.mulf %get3A_265, %get3A_265 : vector<16xf32>
        %mul3A_360 = arith.mulf %get3A_289, %get3A_265 : vector<16xf32>
        %mul3A_361 = arith.mulf %get3A_313, %get3A_265 : vector<16xf32>
        %mul3A_362 = arith.mulf %get3A_337, %get3A_265 : vector<16xf32>
        %mul3A_363 = arith.mulf %get3A_268, %get3A_268 : vector<16xf32>
        %add3A_364 = arith.addf %mul3A_359, %mul3A_363 : vector<16xf32>
        %mul3A_365 = arith.mulf %get3A_292, %get3A_268 : vector<16xf32>
        %add3A_366 = arith.addf %mul3A_360, %mul3A_365 : vector<16xf32>
        %mul3A_367 = arith.mulf %get3A_316, %get3A_268 : vector<16xf32>
        %add3A_368 = arith.addf %mul3A_361, %mul3A_367 : vector<16xf32>
        %mul3A_369 = arith.mulf %get3A_340, %get3A_268 : vector<16xf32>
        %add3A_370 = arith.addf %mul3A_362, %mul3A_369 : vector<16xf32>
        %mul3A_371 = arith.mulf %get3A_271, %get3A_271 : vector<16xf32>
        %add3A_372 = arith.addf %add3A_364, %mul3A_371 : vector<16xf32>
        %mul3A_373 = arith.mulf %get3A_295, %get3A_271 : vector<16xf32>
        %add3A_374 = arith.addf %add3A_366, %mul3A_373 : vector<16xf32>
        %mul3A_375 = arith.mulf %get3A_319, %get3A_271 : vector<16xf32>
        %add3A_376 = arith.addf %add3A_368, %mul3A_375 : vector<16xf32>
        %mul3A_377 = arith.mulf %get3A_343, %get3A_271 : vector<16xf32>
        %add3A_378 = arith.addf %add3A_370, %mul3A_377 : vector<16xf32>
        %mul3A_379 = arith.mulf %get3A_274, %get3A_274 : vector<16xf32>
        %add3A_380 = arith.addf %add3A_372, %mul3A_379 : vector<16xf32>
        %mul3A_381 = arith.mulf %get3A_298, %get3A_274 : vector<16xf32>
        %add3A_382 = arith.addf %add3A_374, %mul3A_381 : vector<16xf32>
        %mul3A_383 = arith.mulf %get3A_322, %get3A_274 : vector<16xf32>
        %add3A_384 = arith.addf %add3A_376, %mul3A_383 : vector<16xf32>
        %mul3A_385 = arith.mulf %get3A_346, %get3A_274 : vector<16xf32>
        %add3A_386 = arith.addf %add3A_378, %mul3A_385 : vector<16xf32>
        %mul3A_387 = arith.mulf %get3A_277, %get3A_277 : vector<16xf32>
        %add3A_388 = arith.addf %add3A_380, %mul3A_387 : vector<16xf32>
        %mul3A_389 = arith.mulf %get3A_301, %get3A_277 : vector<16xf32>
        %add3A_390 = arith.addf %add3A_382, %mul3A_389 : vector<16xf32>
        %mul3A_391 = arith.mulf %get3A_325, %get3A_277 : vector<16xf32>
        %add3A_392 = arith.addf %add3A_384, %mul3A_391 : vector<16xf32>
        %mul3A_393 = arith.mulf %get3A_349, %get3A_277 : vector<16xf32>
        %add3A_394 = arith.addf %add3A_386, %mul3A_393 : vector<16xf32>
        %mul3A_395 = arith.mulf %get3A_280, %get3A_280 : vector<16xf32>
        %add3A_396 = arith.addf %add3A_388, %mul3A_395 : vector<16xf32>
        %mul3A_397 = arith.mulf %get3A_304, %get3A_280 : vector<16xf32>
        %add3A_398 = arith.addf %add3A_390, %mul3A_397 : vector<16xf32>
        %mul3A_399 = arith.mulf %get3A_328, %get3A_280 : vector<16xf32>
        %add3A_400 = arith.addf %add3A_392, %mul3A_399 : vector<16xf32>
        %mul3A_401 = arith.mulf %get3A_352, %get3A_280 : vector<16xf32>
        %add3A_402 = arith.addf %add3A_394, %mul3A_401 : vector<16xf32>
        %mul3A_403 = arith.mulf %get3A_283, %get3A_283 : vector<16xf32>
        %add3A_404 = arith.addf %add3A_396, %mul3A_403 : vector<16xf32>
        %mul3A_405 = arith.mulf %get3A_307, %get3A_283 : vector<16xf32>
        %add3A_406 = arith.addf %add3A_398, %mul3A_405 : vector<16xf32>
        %mul3A_407 = arith.mulf %get3A_331, %get3A_283 : vector<16xf32>
        %add3A_408 = arith.addf %add3A_400, %mul3A_407 : vector<16xf32>
        %mul3A_409 = arith.mulf %get3A_355, %get3A_283 : vector<16xf32>
        %add3A_410 = arith.addf %add3A_402, %mul3A_409 : vector<16xf32>
        %mul3A_411 = arith.mulf %get3A_286, %get3A_286 : vector<16xf32>
        %add3A_412 = arith.addf %add3A_404, %mul3A_411 : vector<16xf32>
        %mul3A_413 = arith.mulf %get3A_310, %get3A_286 : vector<16xf32>
        %add3A_414 = arith.addf %add3A_406, %mul3A_413 : vector<16xf32>
        %mul3A_415 = arith.mulf %get3A_334, %get3A_286 : vector<16xf32>
        %add3A_416 = arith.addf %add3A_408, %mul3A_415 : vector<16xf32>
        %mul3A_417 = arith.mulf %get3A_358, %get3A_286 : vector<16xf32>
        %add3A_418 = arith.addf %add3A_410, %mul3A_417 : vector<16xf32>
        %reduce_sum3A = arith.constant true
        %reduce_sum3A_419 = vector.broadcast %reduce_sum3A : i1 to vector<16xi1>
        %reduce_sum3A_420 = tpu.scan <sum>, %add3A_412 masked %reduce_sum3A_419 : vector<16xf32>, vector<16xi1> -> vector<16xf32>
        %reduce_sum3A_421 = vector.extract %reduce_sum3A_420[15] : f32 from vector<16xf32>
        %broadcast_in_dim3A = vector.broadcast %reduce_sum3A_421 : f32 to vector<16xf32>
        %max3A = arith.constant 1.000000e-24 : f32
        %max3A_422 = vector.broadcast %max3A : f32 to vector<16xf32>
        %max3A_423 = arith.maximumf %broadcast_in_dim3A, %max3A_422 : vector<16xf32>
        %div3A = arith.constant 1.000000e+00 : f32
        %div3A_424 = vector.broadcast %div3A : f32 to vector<16xf32>
        %div3A_425 = arith.divf %div3A_424, %max3A_423 : vector<16xf32>
        %reduce_sum3A_426 = arith.constant true
        %reduce_sum3A_427 = vector.broadcast %reduce_sum3A_426 : i1 to vector<16xi1>
        %reduce_sum3A_428 = tpu.scan <sum>, %add3A_414 masked %reduce_sum3A_427 : vector<16xf32>, vector<16xi1> -> vector<16xf32>
        %reduce_sum3A_429 = vector.extract %reduce_sum3A_428[15] : f32 from vector<16xf32>
        %broadcast_in_dim3A_430 = vector.broadcast %reduce_sum3A_429 : f32 to vector<16xf32>
        %mul3A_431 = arith.mulf %broadcast_in_dim3A_430, %div3A_425 : vector<16xf32>
        %reduce_sum3A_432 = arith.constant true
        %reduce_sum3A_433 = vector.broadcast %reduce_sum3A_432 : i1 to vector<16xi1>
        %reduce_sum3A_434 = tpu.scan <sum>, %add3A_416 masked %reduce_sum3A_433 : vector<16xf32>, vector<16xi1> -> vector<16xf32>
        %reduce_sum3A_435 = vector.extract %reduce_sum3A_434[15] : f32 from vector<16xf32>
        %broadcast_in_dim3A_436 = vector.broadcast %reduce_sum3A_435 : f32 to vector<16xf32>
        %mul3A_437 = arith.mulf %broadcast_in_dim3A_436, %div3A_425 : vector<16xf32>
        %reduce_sum3A_438 = arith.constant true
        %reduce_sum3A_439 = vector.broadcast %reduce_sum3A_438 : i1 to vector<16xi1>
        %reduce_sum3A_440 = tpu.scan <sum>, %add3A_418 masked %reduce_sum3A_439 : vector<16xf32>, vector<16xi1> -> vector<16xf32>
        %reduce_sum3A_441 = vector.extract %reduce_sum3A_440[15] : f32 from vector<16xf32>
        %broadcast_in_dim3A_442 = vector.broadcast %reduce_sum3A_441 : f32 to vector<16xf32>
        %mul3A_443 = arith.mulf %broadcast_in_dim3A_442, %div3A_425 : vector<16xf32>
        %mul3A_444 = arith.mulf %mul3A_431, %get3A_265 : vector<16xf32>
        %sub3A = arith.subf %get3A_289, %mul3A_444 : vector<16xf32>
        %swap3A = arith.index_cast %scan3A_262 : i32 to index
        %swap3A_445 = arith.constant 0 : index
        %swap3A_446 = tpu.vector_load %arg16[%swap3A, %swap3A_445] {strides = array<i32>} : memref<64x128xf32, #tpu.memory_space<vmem>>, vector<16xf32>,
        tpu.vector_store %arg16[%swap3A, %swap3A_445], %sub3A {strides = array<i32>} : memref<64x128xf32, #tpu.memory_space<vmem>>, vector<16xf32>,
        %mul3A_447 = arith.mulf %mul3A_437, %get3A_265 : vector<16xf32>
        %sub3A_448 = arith.subf %get3A_313, %mul3A_447 : vector<16xf32>
        %swap3A_449 = arith.index_cast %scan3A_262 : i32 to index
        %swap3A_450 = arith.constant 0 : index
        %swap3A_451 = tpu.vector_load %arg17[%swap3A_449, %swap3A_450] {strides = array<i32>} : memref<64x128xf32, #tpu.memory_space<vmem>>, vector<16xf32>,
        tpu.vector_store %arg17[%swap3A_449, %swap3A_450], %sub3A_448 {strides = array<i32>} : memref<64x128xf32, #tpu.memory_space<vmem>>, vector<16xf32>,
        %mul3A_452 = arith.mulf %mul3A_443, %get3A_265 : vector<16xf32>
        %sub3A_453 = arith.subf %get3A_337, %mul3A_452 : vector<16xf32>
        %swap3A_454 = arith.index_cast %scan3A_262 : i32 to index
        %swap3A_455 = arith.constant 0 : index
        %swap3A_456 = tpu.vector_load %arg18[%swap3A_454, %swap3A_455] {strides = array<i32>} : memref<64x128xf32, #tpu.memory_space<vmem>>, vector<16xf32>,
        tpu.vector_store %arg18[%swap3A_454, %swap3A_455], %sub3A_453 {strides = array<i32>} : memref<64x128xf32, #tpu.memory_space<vmem>>, vector<16xf32>,
        %mul3A_457 = arith.mulf %mul3A_431, %get3A_268 : vector<16xf32>
        %sub3A_458 = arith.subf %get3A_292, %mul3A_457 : vector<16xf32>
        %swap3A_459 = arith.index_cast %scan3A_262 : i32 to index
        %swap3A_460 = arith.constant 16 : index
        %swap3A_461 = tpu.vector_load %arg16[%swap3A_459, %swap3A_460] {strides = array<i32>} : memref<64x128xf32, #tpu.memory_space<vmem>>, vector<16xf32>,
        tpu.vector_store %arg16[%swap3A_459, %swap3A_460], %sub3A_458 {strides = array<i32>} : memref<64x128xf32, #tpu.memory_space<vmem>>, vector<16xf32>,
        %mul3A_462 = arith.mulf %mul3A_437, %get3A_268 : vector<16xf32>
        %sub3A_463 = arith.subf %get3A_316, %mul3A_462 : vector<16xf32>
        %swap3A_464 = arith.index_cast %scan3A_262 : i32 to index
        %swap3A_465 = arith.constant 16 : index
        %swap3A_466 = tpu.vector_load %arg17[%swap3A_464, %swap3A_465] {strides = array<i32>} : memref<64x128xf32, #tpu.memory_space<vmem>>, vector<16xf32>,
        tpu.vector_store %arg17[%swap3A_464, %swap3A_465], %sub3A_463 {strides = array<i32>} : memref<64x128xf32, #tpu.memory_space<vmem>>, vector<16xf32>,
        %mul3A_467 = arith.mulf %mul3A_443, %get3A_268 : vector<16xf32>
        %sub3A_468 = arith.subf %get3A_340, %mul3A_467 : vector<16xf32>
        %swap3A_469 = arith.index_cast %scan3A_262 : i32 to index
        %swap3A_470 = arith.constant 16 : index
        %swap3A_471 = tpu.vector_load %arg18[%swap3A_469, %swap3A_470] {strides = array<i32>} : memref<64x128xf32, #tpu.memory_space<vmem>>, vector<16xf32>,
        tpu.vector_store %arg18[%swap3A_469, %swap3A_470], %sub3A_468 {strides = array<i32>} : memref<64x128xf32, #tpu.memory_space<vmem>>, vector<16xf32>,
        %mul3A_472 = arith.mulf %mul3A_431, %get3A_271 : vector<16xf32>
        %sub3A_473 = arith.subf %get3A_295, %mul3A_472 : vector<16xf32>
        %swap3A_474 = arith.index_cast %scan3A_262 : i32 to index
        %swap3A_475 = arith.constant 32 : index
        %swap3A_476 = tpu.vector_load %arg16[%swap3A_474, %swap3A_475] {strides = array<i32>} : memref<64x128xf32, #tpu.memory_space<vmem>>, vector<16xf32>,
        tpu.vector_store %arg16[%swap3A_474, %swap3A_475], %sub3A_473 {strides = array<i32>} : memref<64x128xf32, #tpu.memory_space<vmem>>, vector<16xf32>,
        %mul3A_477 = arith.mulf %mul3A_437, %get3A_271 : vector<16xf32>
        %sub3A_478 = arith.subf %get3A_319, %mul3A_477 : vector<16xf32>
        %swap3A_479 = arith.index_cast %scan3A_262 : i32 to index
        %swap3A_480 = arith.constant 32 : index
        %swap3A_481 = tpu.vector_load %arg17[%swap3A_479, %swap3A_480] {strides = array<i32>} : memref<64x128xf32, #tpu.memory_space<vmem>>, vector<16xf32>,
        tpu.vector_store %arg17[%swap3A_479, %swap3A_480], %sub3A_478 {strides = array<i32>} : memref<64x128xf32, #tpu.memory_space<vmem>>, vector<16xf32>,
        %mul3A_482 = arith.mulf %mul3A_443, %get3A_271 : vector<16xf32>
        %sub3A_483 = arith.subf %get3A_343, %mul3A_482 : vector<16xf32>
        %swap3A_484 = arith.index_cast %scan3A_262 : i32 to index
        %swap3A_485 = arith.constant 32 : index
        %swap3A_486 = tpu.vector_load %arg18[%swap3A_484, %swap3A_485] {strides = array<i32>} : memref<64x128xf32, #tpu.memory_space<vmem>>, vector<16xf32>,
        tpu.vector_store %arg18[%swap3A_484, %swap3A_485], %sub3A_483 {strides = array<i32>} : memref<64x128xf32, #tpu.memory_space<vmem>>, vector<16xf32>,
        %mul3A_487 = arith.mulf %mul3A_431, %get3A_274 : vector<16xf32>
        %sub3A_488 = arith.subf %get3A_298, %mul3A_487 : vector<16xf32>
        %swap3A_489 = arith.index_cast %scan3A_262 : i32 to index
        %swap3A_490 = arith.constant 48 : index
        %swap3A_491 = tpu.vector_load %arg16[%swap3A_489, %swap3A_490] {strides = array<i32>} : memref<64x128xf32, #tpu.memory_space<vmem>>, vector<16xf32>,
        tpu.vector_store %arg16[%swap3A_489, %swap3A_490], %sub3A_488 {strides = array<i32>} : memref<64x128xf32, #tpu.memory_space<vmem>>, vector<16xf32>,
        %mul3A_492 = arith.mulf %mul3A_437, %get3A_274 : vector<16xf32>
        %sub3A_493 = arith.subf %get3A_322, %mul3A_492 : vector<16xf32>
        %swap3A_494 = arith.index_cast %scan3A_262 : i32 to index
        %swap3A_495 = arith.constant 48 : index
        %swap3A_496 = tpu.vector_load %arg17[%swap3A_494, %swap3A_495] {strides = array<i32>} : memref<64x128xf32, #tpu.memory_space<vmem>>, vector<16xf32>,
        tpu.vector_store %arg17[%swap3A_494, %swap3A_495], %sub3A_493 {strides = array<i32>} : memref<64x128xf32, #tpu.memory_space<vmem>>, vector<16xf32>,
        %mul3A_497 = arith.mulf %mul3A_443, %get3A_274 : vector<16xf32>
        %sub3A_498 = arith.subf %get3A_346, %mul3A_497 : vector<16xf32>
        %swap3A_499 = arith.index_cast %scan3A_262 : i32 to index
        %swap3A_500 = arith.constant 48 : index
        %swap3A_501 = tpu.vector_load %arg18[%swap3A_499, %swap3A_500] {strides = array<i32>} : memref<64x128xf32, #tpu.memory_space<vmem>>, vector<16xf32>,
        tpu.vector_store %arg18[%swap3A_499, %swap3A_500], %sub3A_498 {strides = array<i32>} : memref<64x128xf32, #tpu.memory_space<vmem>>, vector<16xf32>,
        %mul3A_502 = arith.mulf %mul3A_431, %get3A_277 : vector<16xf32>
        %sub3A_503 = arith.subf %get3A_301, %mul3A_502 : vector<16xf32>
        %swap3A_504 = arith.index_cast %scan3A_262 : i32 to index
        %swap3A_505 = arith.constant 64 : index
        %swap3A_506 = tpu.vector_load %arg16[%swap3A_504, %swap3A_505] {strides = array<i32>} : memref<64x128xf32, #tpu.memory_space<vmem>>, vector<16xf32>,
        tpu.vector_store %arg16[%swap3A_504, %swap3A_505], %sub3A_503 {strides = array<i32>} : memref<64x128xf32, #tpu.memory_space<vmem>>, vector<16xf32>,
        %mul3A_507 = arith.mulf %mul3A_437, %get3A_277 : vector<16xf32>
        %sub3A_508 = arith.subf %get3A_325, %mul3A_507 : vector<16xf32>
        %swap3A_509 = arith.index_cast %scan3A_262 : i32 to index
        %swap3A_510 = arith.constant 64 : index
        %swap3A_511 = tpu.vector_load %arg17[%swap3A_509, %swap3A_510] {strides = array<i32>} : memref<64x128xf32, #tpu.memory_space<vmem>>, vector<16xf32>,
        tpu.vector_store %arg17[%swap3A_509, %swap3A_510], %sub3A_508 {strides = array<i32>} : memref<64x128xf32, #tpu.memory_space<vmem>>, vector<16xf32>,
        %mul3A_512 = arith.mulf %mul3A_443, %get3A_277 : vector<16xf32>
        %sub3A_513 = arith.subf %get3A_349, %mul3A_512 : vector<16xf32>
        %swap3A_514 = arith.index_cast %scan3A_262 : i32 to index
        %swap3A_515 = arith.constant 64 : index
        %swap3A_516 = tpu.vector_load %arg18[%swap3A_514, %swap3A_515] {strides = array<i32>} : memref<64x128xf32, #tpu.memory_space<vmem>>, vector<16xf32>,
        tpu.vector_store %arg18[%swap3A_514, %swap3A_515], %sub3A_513 {strides = array<i32>} : memref<64x128xf32, #tpu.memory_space<vmem>>, vector<16xf32>,
        %mul3A_517 = arith.mulf %mul3A_431, %get3A_280 : vector<16xf32>
        %sub3A_518 = arith.subf %get3A_304, %mul3A_517 : vector<16xf32>
        %swap3A_519 = arith.index_cast %scan3A_262 : i32 to index
        %swap3A_520 = arith.constant 80 : index
        %swap3A_521 = tpu.vector_load %arg16[%swap3A_519, %swap3A_520] {strides = array<i32>} : memref<64x128xf32, #tpu.memory_space<vmem>>, vector<16xf32>,
        tpu.vector_store %arg16[%swap3A_519, %swap3A_520], %sub3A_518 {strides = array<i32>} : memref<64x128xf32, #tpu.memory_space<vmem>>, vector<16xf32>,
        %mul3A_522 = arith.mulf %mul3A_437, %get3A_280 : vector<16xf32>
        %sub3A_523 = arith.subf %get3A_328, %mul3A_522 : vector<16xf32>
        %swap3A_524 = arith.index_cast %scan3A_262 : i32 to index
        %swap3A_525 = arith.constant 80 : index
        %swap3A_526 = tpu.vector_load %arg17[%swap3A_524, %swap3A_525] {strides = array<i32>} : memref<64x128xf32, #tpu.memory_space<vmem>>, vector<16xf32>,
        tpu.vector_store %arg17[%swap3A_524, %swap3A_525], %sub3A_523 {strides = array<i32>} : memref<64x128xf32, #tpu.memory_space<vmem>>, vector<16xf32>,
        %mul3A_527 = arith.mulf %mul3A_443, %get3A_280 : vector<16xf32>
        %sub3A_528 = arith.subf %get3A_352, %mul3A_527 : vector<16xf32>
        %swap3A_529 = arith.index_cast %scan3A_262 : i32 to index
        %swap3A_530 = arith.constant 80 : index
        %swap3A_531 = tpu.vector_load %arg18[%swap3A_529, %swap3A_530] {strides = array<i32>} : memref<64x128xf32, #tpu.memory_space<vmem>>, vector<16xf32>,
        tpu.vector_store %arg18[%swap3A_529, %swap3A_530], %sub3A_528 {strides = array<i32>} : memref<64x128xf32, #tpu.memory_space<vmem>>, vector<16xf32>,
        %mul3A_532 = arith.mulf %mul3A_431, %get3A_283 : vector<16xf32>
        %sub3A_533 = arith.subf %get3A_307, %mul3A_532 : vector<16xf32>
        %swap3A_534 = arith.index_cast %scan3A_262 : i32 to index
        %swap3A_535 = arith.constant 96 : index
        %swap3A_536 = tpu.vector_load %arg16[%swap3A_534, %swap3A_535] {strides = array<i32>} : memref<64x128xf32, #tpu.memory_space<vmem>>, vector<16xf32>,
        tpu.vector_store %arg16[%swap3A_534, %swap3A_535], %sub3A_533 {strides = array<i32>} : memref<64x128xf32, #tpu.memory_space<vmem>>, vector<16xf32>,
        %mul3A_537 = arith.mulf %mul3A_437, %get3A_283 : vector<16xf32>
        %sub3A_538 = arith.subf %get3A_331, %mul3A_537 : vector<16xf32>
        %swap3A_539 = arith.index_cast %scan3A_262 : i32 to index
        %swap3A_540 = arith.constant 96 : index
        %swap3A_541 = tpu.vector_load %arg17[%swap3A_539, %swap3A_540] {strides = array<i32>} : memref<64x128xf32, #tpu.memory_space<vmem>>, vector<16xf32>,
        tpu.vector_store %arg17[%swap3A_539, %swap3A_540], %sub3A_538 {strides = array<i32>} : memref<64x128xf32, #tpu.memory_space<vmem>>, vector<16xf32>,
        %mul3A_542 = arith.mulf %mul3A_443, %get3A_283 : vector<16xf32>
        %sub3A_543 = arith.subf %get3A_355, %mul3A_542 : vector<16xf32>
        %swap3A_544 = arith.index_cast %scan3A_262 : i32 to index
        %swap3A_545 = arith.constant 96 : index
        %swap3A_546 = tpu.vector_load %arg18[%swap3A_544, %swap3A_545] {strides = array<i32>} : memref<64x128xf32, #tpu.memory_space<vmem>>, vector<16xf32>,
        tpu.vector_store %arg18[%swap3A_544, %swap3A_545], %sub3A_543 {strides = array<i32>} : memref<64x128xf32, #tpu.memory_space<vmem>>, vector<16xf32>,
        %mul3A_547 = arith.mulf %mul3A_431, %get3A_286 : vector<16xf32>
        %sub3A_548 = arith.subf %get3A_310, %mul3A_547 : vector<16xf32>
        %swap3A_549 = arith.index_cast %scan3A_262 : i32 to index
        %swap3A_550 = arith.constant 112 : index
        %swap3A_551 = tpu.vector_load %arg16[%swap3A_549, %swap3A_550] {strides = array<i32>} : memref<64x128xf32, #tpu.memory_space<vmem>>, vector<16xf32>,
        tpu.vector_store %arg16[%swap3A_549, %swap3A_550], %sub3A_548 {strides = array<i32>} : memref<64x128xf32, #tpu.memory_space<vmem>>, vector<16xf32>,
        %mul3A_552 = arith.mulf %mul3A_437, %get3A_286 : vector<16xf32>
        %sub3A_553 = arith.subf %get3A_334, %mul3A_552 : vector<16xf32>
        %swap3A_554 = arith.index_cast %scan3A_262 : i32 to index
        %swap3A_555 = arith.constant 112 : index
        %swap3A_556 = tpu.vector_load %arg17[%swap3A_554, %swap3A_555] {strides = array<i32>} : memref<64x128xf32, #tpu.memory_space<vmem>>, vector<16xf32>,
        tpu.vector_store %arg17[%swap3A_554, %swap3A_555], %sub3A_553 {strides = array<i32>} : memref<64x128xf32, #tpu.memory_space<vmem>>, vector<16xf32>,
        %mul3A_557 = arith.mulf %mul3A_443, %get3A_286 : vector<16xf32>
        %sub3A_558 = arith.subf %get3A_358, %mul3A_557 : vector<16xf32>
        %swap3A_559 = arith.index_cast %scan3A_262 : i32 to index
        %swap3A_560 = arith.constant 112 : index
        %swap3A_561 = tpu.vector_load %arg18[%swap3A_559, %swap3A_560] {strides = array<i32>} : memref<64x128xf32, #tpu.memory_space<vmem>>, vector<16xf32>,
        tpu.vector_store %arg18[%swap3A_559, %swap3A_560], %sub3A_558 {strides = array<i32>} : memref<64x128xf32, #tpu.memory_space<vmem>>, vector<16xf32>,
        %scan3A_562 = arith.constant 0 : i32
        scf.yield %scan3A_562 : i32
      }
      %scan3A_241 = arith.constant 64 : i32
      %add3A_242 = arith.constant 1 : i32
      %add3A_243 = arith.addi %mul3A_120, %add3A_242 : i32
      %mul3A_244 = arith.constant 512 : i32
      %mul3A_245 = arith.muli %add3A, %mul3A_244 : i32
      %mul3A_246 = arith.constant 64 : i32
      %mul3A_247 = arith.muli %add3A_243, %mul3A_246 : i32
      %add3A_248 = arith.addi %mul3A_245, %mul3A_247 : i32
      %dma_start3A_249 = arith.constant 0 : i32
      %dma_start3A_250 = tpu.memref_slice %arg6[%add3A_248, %dma_start3A_249] : memref<16384x128xf32, #tpu.memory_space<hbm>> -> memref<64x128xf32, #tpu.memory_space<hbm>>
      %dma_start3A_251 = arith.constant 0 : i32
      %dma_start3A_252 = tpu.memref_slice %arg6[%add3A_248, %dma_start3A_251] : memref<16384x128xf32, #tpu.memory_space<hbm>> -> memref<64x128xf32, #tpu.memory_space<hbm>>
      tpu.enqueue_dma source(%arg16 : memref<64x128xf32, #tpu.memory_space<vmem>>) target(%dma_start3A_252 : memref<64x128xf32, #tpu.memory_space<hbm>>) target_semaphore(%arg23 : memref<!tpu.dma_semaphore, #tpu.memory_space<semaphore_mem>>)
      %dma_start3A_253 = arith.constant 0 : i32
      %dma_start3A_254 = tpu.memref_slice %arg7[%add3A_248, %dma_start3A_253] : memref<16384x128xf32, #tpu.memory_space<hbm>> -> memref<64x128xf32, #tpu.memory_space<hbm>>
      %dma_start3A_255 = arith.constant 0 : i32
      %dma_start3A_256 = tpu.memref_slice %arg7[%add3A_248, %dma_start3A_255] : memref<16384x128xf32, #tpu.memory_space<hbm>> -> memref<64x128xf32, #tpu.memory_space<hbm>>
      tpu.enqueue_dma source(%arg17 : memref<64x128xf32, #tpu.memory_space<vmem>>) target(%dma_start3A_256 : memref<64x128xf32, #tpu.memory_space<hbm>>) target_semaphore(%arg23 : memref<!tpu.dma_semaphore, #tpu.memory_space<semaphore_mem>>)
      %dma_start3A_257 = arith.constant 0 : i32
      %dma_start3A_258 = tpu.memref_slice %arg8[%add3A_248, %dma_start3A_257] : memref<16384x128xf32, #tpu.memory_space<hbm>> -> memref<64x128xf32, #tpu.memory_space<hbm>>
      %dma_start3A_259 = arith.constant 0 : i32
      %dma_start3A_260 = tpu.memref_slice %arg8[%add3A_248, %dma_start3A_259] : memref<16384x128xf32, #tpu.memory_space<hbm>> -> memref<64x128xf32, #tpu.memory_space<hbm>>
      tpu.enqueue_dma source(%arg18 : memref<64x128xf32, #tpu.memory_space<vmem>>) target(%dma_start3A_260 : memref<64x128xf32, #tpu.memory_space<hbm>>) target_semaphore(%arg23 : memref<!tpu.dma_semaphore, #tpu.memory_space<semaphore_mem>>)
      %scan3A_261 = arith.constant 0 : i32
      scf.yield %scan3A_261 : i32
    }
    %scan3A_80 = arith.constant 4 : i32
    %dma_wait3A_81 = arith.constant 0 : i32
    %dma_wait3A_82 = arith.constant 0 : i32
    %dma_wait3A_83 = tpu.memref_slice %arg6[%dma_wait3A_81, %dma_wait3A_82] : memref<16384x128xf32, #tpu.memory_space<hbm>> -> memref<64x128xf32, #tpu.memory_space<hbm>>
    %dma_wait3A_84 = arith.constant 0 : i32
    %dma_wait3A_85 = arith.constant 0 : i32
    %dma_wait3A_86 = tpu.memref_slice %arg6[%dma_wait3A_84, %dma_wait3A_85] : memref<16384x128xf32, #tpu.memory_space<hbm>> -> memref<64x128xf32, #tpu.memory_space<hbm>>
    tpu.wait_dma2 semaphore(%arg22 : memref<!tpu.dma_semaphore, #tpu.memory_space<semaphore_mem>>) src(%arg12 : memref<64x128xf32, #tpu.memory_space<vmem>>) dst(%dma_wait3A_86 : memref<64x128xf32, #tpu.memory_space<hbm>>)
    %dma_wait3A_87 = arith.constant 0 : i32
    %dma_wait3A_88 = arith.constant 0 : i32
    %dma_wait3A_89 = tpu.memref_slice %arg7[%dma_wait3A_87, %dma_wait3A_88] : memref<16384x128xf32, #tpu.memory_space<hbm>> -> memref<64x128xf32, #tpu.memory_space<hbm>>
    %dma_wait3A_90 = arith.constant 0 : i32
    %dma_wait3A_91 = arith.constant 0 : i32
    %dma_wait3A_92 = tpu.memref_slice %arg7[%dma_wait3A_90, %dma_wait3A_91] : memref<16384x128xf32, #tpu.memory_space<hbm>> -> memref<64x128xf32, #tpu.memory_space<hbm>>
    tpu.wait_dma2 semaphore(%arg22 : memref<!tpu.dma_semaphore, #tpu.memory_space<semaphore_mem>>) src(%arg13 : memref<64x128xf32, #tpu.memory_space<vmem>>) dst(%dma_wait3A_92 : memref<64x128xf32, #tpu.memory_space<hbm>>)
    %dma_wait3A_93 = arith.constant 0 : i32
    %dma_wait3A_94 = arith.constant 0 : i32
    %dma_wait3A_95 = tpu.memref_slice %arg8[%dma_wait3A_93, %dma_wait3A_94] : memref<16384x128xf32, #tpu.memory_space<hbm>> -> memref<64x128xf32, #tpu.memory_space<hbm>>
    %dma_wait3A_96 = arith.constant 0 : i32
    %dma_wait3A_97 = arith.constant 0 : i32
    %dma_wait3A_98 = tpu.memref_slice %arg8[%dma_wait3A_96, %dma_wait3A_97] : memref<16384x128xf32, #tpu.memory_space<hbm>> -> memref<64x128xf32, #tpu.memory_space<hbm>>
    tpu.wait_dma2 semaphore(%arg22 : memref<!tpu.dma_semaphore, #tpu.memory_space<semaphore_mem>>) src(%arg14 : memref<64x128xf32, #tpu.memory_space<vmem>>) dst(%dma_wait3A_98 : memref<64x128xf32, #tpu.memory_space<hbm>>)
    %dma_wait3A_99 = arith.constant 0 : i32
    %dma_wait3A_100 = arith.constant 0 : i32
    %dma_wait3A_101 = tpu.memref_slice %arg6[%dma_wait3A_99, %dma_wait3A_100] : memref<16384x128xf32, #tpu.memory_space<hbm>> -> memref<64x128xf32, #tpu.memory_space<hbm>>
    %dma_wait3A_102 = arith.constant 0 : i32
    %dma_wait3A_103 = arith.constant 0 : i32
    %dma_wait3A_104 = tpu.memref_slice %arg6[%dma_wait3A_102, %dma_wait3A_103] : memref<16384x128xf32, #tpu.memory_space<hbm>> -> memref<64x128xf32, #tpu.memory_space<hbm>>
    tpu.wait_dma2 semaphore(%arg23 : memref<!tpu.dma_semaphore, #tpu.memory_space<semaphore_mem>>) src(%arg16 : memref<64x128xf32, #tpu.memory_space<vmem>>) dst(%dma_wait3A_104 : memref<64x128xf32, #tpu.memory_space<hbm>>)
    %dma_wait3A_105 = arith.constant 0 : i32
    %dma_wait3A_106 = arith.constant 0 : i32
    %dma_wait3A_107 = tpu.memref_slice %arg7[%dma_wait3A_105, %dma_wait3A_106] : memref<16384x128xf32, #tpu.memory_space<hbm>> -> memref<64x128xf32, #tpu.memory_space<hbm>>
    %dma_wait3A_108 = arith.constant 0 : i32
    %dma_wait3A_109 = arith.constant 0 : i32
    %dma_wait3A_110 = tpu.memref_slice %arg7[%dma_wait3A_108, %dma_wait3A_109] : memref<16384x128xf32, #tpu.memory_space<hbm>> -> memref<64x128xf32, #tpu.memory_space<hbm>>
    tpu.wait_dma2 semaphore(%arg23 : memref<!tpu.dma_semaphore, #tpu.memory_space<semaphore_mem>>) src(%arg17 : memref<64x128xf32, #tpu.memory_space<vmem>>) dst(%dma_wait3A_110 : memref<64x128xf32, #tpu.memory_space<hbm>>)
    %dma_wait3A_111 = arith.constant 0 : i32
    %dma_wait3A_112 = arith.constant 0 : i32
    %dma_wait3A_113 = tpu.memref_slice %arg8[%dma_wait3A_111, %dma_wait3A_112] : memref<16384x128xf32, #tpu.memory_space<hbm>> -> memref<64x128xf32, #tpu.memory_space<hbm>>
    %dma_wait3A_114 = arith.constant 0 : i32
    %dma_wait3A_115 = arith.constant 0 : i32
    %dma_wait3A_116 = tpu.memref_slice %arg8[%dma_wait3A_114, %dma_wait3A_115] : memref<16384x128xf32, #tpu.memory_space<hbm>> -> memref<64x128xf32, #tpu.memory_space<hbm>>
    tpu.wait_dma2 semaphore(%arg23 : memref<!tpu.dma_semaphore, #tpu.memory_space<semaphore_mem>>) src(%arg18 : memref<64x128xf32, #tpu.memory_space<vmem>>) dst(%dma_wait3A_116 : memref<64x128xf32, #tpu.memory_space<hbm>>)
    return
  }
}

</mosaic_0001>

<sc_bundles>
// kernel: _transh_sc.3.cloned.1.call-start
scs
__scs_entry_jumppad:
0x0: {  	(pc) =	sbr.rel $0x88, $3  }
0x1: {  	(tag) =	ssettag $0x0;
	lr =	simm.s32 $0x1  }
0x2: {  	[smem:$0x3F9D] =	sst lr;
	_ =	strace $0xD0000000  }
0x3: {  	_ = 	snop  }
0x4: {  	_ = 	snop  }
0x5: {  	_ = 	snop  }
0x6: {  	_ = 	snop  }
0x7: {  	_ = 	snop  }
__scs_overlays_trampoline_lowered:
0x8: {  	[smem:$0x3FAC] =	sst s0  }
0x9: {  	[smem:$0x3FAD] =	sst s1  }
0xa: {  	[smem:$0x3FAE] =	sst s2  }
0xb: {  	[smem:$0x3FAF] =	sst s3  }
0xc: {  	[smem:$0x3FB0] =	sst s4  }
0xd: {  	[smem:$0x3FB1] =	sst s5  }
0xe: {  	[smem:$0x3FB2] =	sst s6  }
0xf: {  	[smem:$0x3FB3] =	sst s7  }
0x10: {  	[smem:$0x3FB4] =	sst s8  }
0x11: {  	[smem:$0x3FB5] =	sst s9;
	s0 =	simm.s32 @!p0 $0x0  }
0x12: {  	s1 =	sld [smem:$0x3F9B];
	s0 =	simm.s32 @p0 $0x1  }
0x13: {  	[smem:$0x3FB6] =	sst s0;
	s0 =	simm.s32 @!p1 $0x0  }
0x14: {  	s2 =	sld [smem:$0x3F9A];
	s0 =	simm.s32 @p1 $0x1  }
0x15: {  	[smem:$0x3FB7] =	sst s0;
	s0 =	simm.s32 @!p2 $0x0  }
0x16: {  	s3 =	sld [smem:$0x3FDB];
	s0 =	simm.s32 @p2 $0x1  }
0x17: {  	s4 =	simm.s32 $0x1BF5;
	[smem:$0x3FB9] =	sst s0  }
0x18: {  	s0 =	sld [smem:$0x3F9C];
	_ =	swait.ge [sflag:s4], $0x0  }
0x19: {  	s7 =	sld [smem:$0x3F9D]  }
0x1a: {  	s8 =	sadd.s32 $0xFFFFE003, lr  }
0x1b: {  	s9 =	sadd.s32 $0xFFFFFEF7, lr;
	s5 =	simm.s32 $0xFFFFFFFF;
	p2 =	slt.u32 s8, $0xFFFFF086  }
0x1c: {  	p1 =	slt.u32 s9, $0xF7A;
	s5 =	simm.s32 @!p2 $0x0  }
0x1d: {  	s5 =	simm.s32 @p1 $0x1;
	p0 =	seq.s32 s7, s2  }
0x1e: {  	s7 =	smul.u32 @!p0 $0xF7A, s2;
	p2 =	seq.s32 @!p0 s5, $0x0  }
0x1f: {  	s9 =	smul.u32 $0xF7A, s1;
	s8 =	simm.s32 @!p0 $0x1BF5;
	p2 =	por !p2, p0  }
0x20: {  	[sflag:s8] =	ssyncset.s32 @!p0 $0xFFFFF086;
	s6 =	sadd.s32 @!p0 s3, s7;
	s7 =	simm.s32 @!p0 $0x108  }
0x21: {  	s3 =	sadd.s32 s3, s9;
	s6 =	sadd.s32 @!p0 $0x88, s6;
	s7 =	simm.s32 @p2 $0x1082  }
0x22: {  	[simem:s7], [sflag:s8] =	dma.local @!p0 [hbm:s6], $0xF7A  }
0x23: {  	s9 =	sor.u32 $0xD0000000, s2;
	s6 =	simm.s32 $0x108;
	_ =	swait.ge @!p0 [sflag:s8], $0x0  }
0x24: {  	s3 =	sadd.s32 $0x88, s3;
	s6 =	simm.s32 @!p1 $0x1082;
	[sflag:s4] =	ssyncset.s32 $0xFFFFF086  }
0x25: {  	[simem:s6], [sflag:s4] =	dma.local [hbm:s3], $0xF7A  }
0x26: {  	[smem:$0x3F9D] =	sst s1;
	(tag) =	ssettag s2;
	_ =	strace s9  }
0x27: {  	s1 =	sld [smem:$0x3FAD]  }
0x28: {  	s2 =	sld [smem:$0x3FAE]  }
0x29: {  	s4 =	sld [smem:$0x3FB0]  }
0x2a: {  	p0 =	seq.s32 s5, $0x0;
	s5 =	sld [smem:$0x3FB1]  }
0x2b: {  	s6 =	sld [smem:$0x3FB2]  }
0x2c: {  	s7 =	sld [smem:$0x3FB3]  }
0x2d: {  	s3 =	simm.s32 $0x108;
	s8 =	sld [smem:$0x3FB4]  }
0x2e: {  	s3 =	simm.s32 @!p0 $0x1082;
	s9 =	sld [smem:$0x3FB5]  }
0x2f: {  	lr =	sadd.s32 s0, s3;
	s0 =	sld [smem:$0x3FAC]  }
0x30: {  	s3 =	sld [smem:$0x3FAF]  }
0x31: {  	[smem:$0x3FB8] =	sst s10  }
0x32: {  	s10 =	sld [smem:$0x3FB6];
	_ =	sdelay $0x3  }
0x33: {  	p0 =	seq.s32 s10, $0x1;
	s10 =	sld [smem:$0x3FB8];
	_ =	sdelay $0x3  }
0x34: {  	[smem:$0x3FB8] =	sst s10  }
0x35: {  	s10 =	sld [smem:$0x3FB7];
	_ =	sdelay $0x3  }
0x36: {  	p1 =	seq.s32 s10, $0x1;
	s10 =	sld [smem:$0x3FB8];
	_ =	sdelay $0x3  }
0x37: {  	[smem:$0x3FB8] =	sst s10  }
0x38: {  	s10 =	sld [smem:$0x3FB9]  }
0x39: {  	_ = 	snop;
	(pc) =	sbr.ind lr, $3  }
0x3a: {  	_ = 	snop  }
0x3b: {  	_ = 	snop  }
0x3c: {  	p2 =	seq.s32 s10, $0x1;
	s10 =	sld [smem:$0x3FB8]  }
0x3d: {  	_ =	shalt  }
0x3e: {  	_ =	shalt  }
0x3f: {  	_ =	shalt  }
0x40: {  	_ =	shalt  }
0x41: {  	_ =	shalt  }
0x42: {  	_ =	shalt  }
0x43: {  	_ =	shalt  }
0x44: {  	_ =	shalt  }
0x45: {  	_ =	shalt  }
0x46: {  	_ =	shalt  }
0x47: {  	_ =	shalt  }
0x48: {  	_ =	shalt  }
0x49: {  	_ =	shalt  }
0x4a: {  	_ =	shalt  }
0x4b: {  	_ =	shalt  }
0x4c: {  	_ =	shalt  }
0x4d: {  	_ =	shalt  }
0x4e: {  	_ =	shalt  }
0x4f: {  	_ =	shalt  }
0x50: {  	_ =	shalt  }
0x51: {  	_ =	shalt  }
0x52: {  	_ =	shalt  }
0x53: {  	_ =	shalt  }
0x54: {  	_ =	shalt  }
0x55: {  	_ =	shalt  }
0x56: {  	_ =	shalt  }
0x57: {  	_ =	shalt  }
0x58: {  	_ =	shalt  }
0x59: {  	_ =	shalt  }
0x5a: {  	_ =	shalt  }
0x5b: {  	_ =	shalt  }
0x5c: {  	_ =	shalt  }
0x5d: {  	_ =	shalt  }
0x5e: {  	_ =	shalt  }
0x5f: {  	_ =	shalt  }
0x60: {  	_ =	shalt  }
0x61: {  	_ =	shalt  }
0x62: {  	_ =	shalt  }
0x63: {  	_ =	shalt  }
0x64: {  	_ =	shalt  }
0x65: {  	_ =	shalt  }
0x66: {  	_ =	shalt  }
0x67: {  	_ =	shalt  }
0x68: {  	_ =	shalt  }
0x69: {  	_ =	shalt  }
0x6a: {  	_ =	shalt  }
0x6b: {  	_ =	shalt  }
0x6c: {  	_ =	shalt  }
0x6d: {  	_ =	shalt  }
0x6e: {  	_ =	shalt  }
0x6f: {  	_ =	shalt  }
0x70: {  	_ =	shalt  }
0x71: {  	_ =	shalt  }
0x72: {  	_ =	shalt  }
0x73: {  	_ =	shalt  }
0x74: {  	_ =	shalt  }
0x75: {  	_ =	shalt  }
0x76: {  	_ =	shalt  }
0x77: {  	_ =	shalt  }
0x78: {  	_ =	shalt  }
0x79: {  	_ =	shalt  }
0x7a: {  	_ =	shalt  }
0x7b: {  	_ =	shalt  }
0x7c: {  	_ =	shalt  }
0x7d: {  	_ =	shalt  }
0x7e: {  	_ =	shalt  }
0x7f: {  	_ =	shalt  }
0x80: {  	_ =	shalt  }
0x81: {  	_ =	shalt  }
0x82: {  	_ =	shalt  }
0x83: {  	_ =	shalt  }
0x84: {  	_ =	shalt  }
0x85: {  	_ =	shalt  }
0x86: {  	_ =	shalt  }
0x87: {  	_ =	shalt  }
.Lfunc_end0:
.L_simem_size_0:
called_computation_lowered:
.L_overlay_start_0:
0x88: {  	s2 =	sld [smem:$0x3FD9]  }
0x89: {  	s3 =	sld [smem:$0x3FFE];
	_ =	sdelay $0x1  }
0x8a: {  	s1 =	srdreg.scid  }
0x8b: {  	s0 =	sand.u32 $0x1, s1  }
0x8c: {  	s14 =	sshll.u32 s0, $0xA;
	s2 =	sadd.s32 s3, s2  }
0x8d: {  	s2 =	sadd.s32 s2, s14  }
0x8e: {  	[smem:$0x3FC4] =	sst s2  }
0x8f: {  	_ = 	snop  }
0x90: {  	s2 =	sld [smem:$0x3FD0]  }
0x91: {  	s15 =	sld [smem:$0x3FC8]  }
0x92: {  	s4 =	sld [smem:$0x3FC7]  }
0x93: {  	s6 =	simm.s32 $0xA;
	s7 =	simm.s32 $0x10;
	s5 =	sld [smem:$0x3FC6]  }
0x94: {  	[smem:s7], [sflag:s6] =	dma.local [hbm:s2], $0x1  }
0x95: {  	_ =	swait.eq [sflag:s6], $0x1  }
0x96: {  	s16 =	sld [smem:$0x10];
	[sflag:s6] =	ssyncset.done $0x0  }
0x97: {  	s17 =	sld [smem:$0x11];
	[sflag:s6] =	ssyncadd.s32 $0xFFFFFFFF  }
0x98: {  	s18 =	sld [smem:$0x12];
	(tm) =	ssettm $0x1  }
0x99: {  	s8 =	sld [smem:$0x3FFB];
	_ =	sdelay $0x3  }
0x9a: {  	_ =	strace s8  }
0x9b: {  	s8 =	sld [smem:$0x3FFC];
	_ =	sdelay $0x3  }
0x9c: {  	_ =	strace s8  }
0x9d: {  	s8 =	sld [smem:$0x3FFD];
	_ =	sdelay $0x3  }
0x9e: {  	_ =	strace s8  }
0x9f: {  	_ =	strace $0x8FFFFFFF  }
0xa0: {  	s19 =	sld [smem:$0x3FDB];
	_ =	sdelay $0x1  }
0xa1: {  	s9 =	simm.s32 $_scs_section_size  }
0xa2: {  	s10 =	simm.s32 $_size__tile_overlayer_lowered;
	s11 =	simm.s32 $_tile_overlayer_lowered  }
0xa3: {  	s22 =	simm.s32 $0x1BFF;
	s21 =	sshll.u32 s11, $0x1;
	s8 =	sadd.s32 s9, s19  }
0xa4: {  	s12 =	simm.s32 $0x0;
	s20 =	sshll.u32 s10, $0x1;
	s10 =	sadd.s32 s21, s8  }
0xa5: {  	[timem:s12], [sflag:s22] =	dma.local [hbm:s10], s20  }
0xa6: {  	_ =	swait.ge [sflag:s22], s20  }
0xa7: {  	s9 =	ssub.s32 $0x0, s20;
	[sflag:s22] =	ssyncset.done $0x0  }
0xa8: {  	[sflag:s22] =	ssyncadd.s32 s9;
	_ =	sdelay $0x1  }
0xa9: {  	s23 =	simm.s32 $0x1B8B  }
0xaa: {  	_ =	swait.ge [sflag:s23], $0x1  }
0xab: {  	[sflag:s23] =	ssyncset.done $0x0  }
0xac: {  	s25 =	simm.s32 $0x1B8E;
	s24 =	sld [smem:$0x3FFE];
	[sflag:s23] =	ssyncadd.s32 $0xFFFFFFFF  }
0xad: {  	s26 =	simm.s32 $execute0_lowered;
	[smem:$0x3FD2] =	sst s25  }
0xae: {  	s10 =	sshll.u32 s26, $0x1;
	_ =	strace $0x80000046;
	[dreg:$0x1] =	wrdreg $0xFFFFFFFF  }
0xaf: {  	s28 =	simm.s32 $_size_execute0_lowered;
	s8 =	sadd.s32 s8, s10;
	[dreg:$0x0] =	wrdreg $0x0  }
0xb0: {  	s10 =	sshll.u32 s28, $0x1;
	[dreg:$0x2] =	wrdreg s8  }
0xb1: {  	[dreg:$0x3] =	wrdreg s10  }
0xb2: {  	[dreg:$0x4] =	wrdreg $0xC0  }
0xb3: {  	_ =	task [dreg:s12], $0x5FFFF  }
0xb4: {  	[dreg:$0x1] =	wrdreg $0xFFFFFFFF  }
0xb5: {  	[dreg:$0x0] =	wrdreg $0x60  }
0xb6: {  	[dreg:$0x2] =	wrdreg s24  }
0xb7: {  	[dreg:$0x3] =	wrdreg s15  }
0xb8: {  	[dreg:$0x4] =	wrdreg s4  }
0xb9: {  	[dreg:$0x5] =	wrdreg s5  }
0xba: {  	[dreg:$0x6] =	wrdreg s16  }
0xbb: {  	[dreg:$0x7] =	wrdreg s17  }
0xbc: {  	[dreg:$0x8] =	wrdreg s18  }
0xbd: {  	[dreg:$0x9] =	wrdreg $0x9  }
0xbe: {  	_ =	task.clear_ibuf [dreg:s12], $0xAFFFF;
	_ =	strace $0x90000046  }
0xbf: {  	s29 =	simm.s32 $0x9;
	_ =	strace $0x80000048  }
0xc0: {  	_ =	swait.ge [sflag:s29], $0x1  }
0xc1: {  	[sflag:s29] =	ssyncadd.s32 $0xFFFFFFFF  }
0xc2: {  	_ =	strace $0x90000048  }
0xc3: {  	_ =	sfence  }
0xc4: {  	s30 =	sld [smem:$0x0];
	_ =	sdelay $0x2  }
0xc5: {  	s31 =	sshll.u32 s1, $0xD;
	s1 =	sshrl.u32 s1, $0x2  }
0xc6: {  	s3 =	sand.u32 $0x4000, s31;
	s1 =	sadd.s32 s1, s30  }
0xc7: {  	s0 =	sor.u32 s3, s0;
	s1 =	sshll.u32 s1, $0x11  }
0xc8: {  	s0 =	sor.u32 s1, s0  }
0xc9: {  	s0 =	sadd.s32 $0x8F2B, s0  }
0xca: {  	[sflag:s0] =	ssyncadd.remote.s32 $0x1  }
0xcb: {  	_ =	sfence.sel $0xFFFF  }
0xcc: {  	[dreg:$0x0] =	wrdreg $0xFFFFFFFF;
	(pc) =	sbr.abs _section_cstart, $3  }
0xcd: {  	[dreg:$0x1] =	wrdreg $0xFFFFFFFF  }
0xce: {  	_ =	task.clear_ibuf [dreg:s12], $0x2FFFF;
	_ =	strace $0x9FFFFFFF  }
0xcf: {  	(tm) =	ssettm $0x7FFFFFFF  }
tec
execute0_lowered:
.L_overlay_start_1:
0x0: {  	(tag) =	ssettag $0x1  }
0x1: {  	s2 =	rddreg [dreg:$0x0]  }
0x2: {  	s0 =	rddreg [dreg:$0x1]  }
0x3: {  	s1 =	rddreg [dreg:$0x2]  }
0x4: {  	s3 =	rddreg [dreg:$0x3]  }
0x5: {  	s5 =	rddreg [dreg:$0x4]  }
0x6: {  	s6 =	rddreg [dreg:$0x5]  }
0x7: {  	s7 =	rddreg [dreg:$0x6]  }
0x8: {  	s4 =	srdreg.scid;
	s8 =	stileid.u32;
	s14 =	simm.s32 $0x400  }
0x9: {  	s16 =	simm.s32 $0x1;
	s17 =	simm.s32 $0x40;
	s18 =	simm.s32 $0xC00  }
0xa: {  	s19 =	simm.s32 $0x2C00;
	s20 =	simm.s32 $0x4C00;
	s22 =	simm.s32 $0x8C00  }
0xb: {  	s23 =	simm.s32 $0xAC00;
	s24 =	simm.s32 $0xCC00;
	s25 =	simm.s32 $0xEC00  }
0xc: {  	s26 =	simm.s32 $0x2;
	s28 =	simm.s32 $0x3;
	s29 =	simm.s32 $0x4  }
0xd: {  	s30 =	simm.s32 $0x0;
	s4 =	sand.u32 $0x1, s4;
	s9 =	sshll.u32 s8, $0x1  }
0xe: {  	s8 =	simm.s32 $0x0;
	s9 =	sor.u32 s4, s9;
	s4 =	ssub.s32 $0x2, s4  }
0xf: {  	[smem:$0x7FF] =	sst s8;
	s10 =	sshll.u32 s9, $0x7;
	s11 =	sshrl.u32 s4, $0x1  }
0x10: {  	_ =	strace $0x80000047;
	s12 =	sshll.u32 s9, $0xD;
	s2 =	sadd.s32 s10, s2  }
0x11: {  	s4 =	ssub.s32 s4, s11;
	s10 =	sadd.s32 $0x600, s2;
	s11 =	sadd.s32 $0x2600, s2  }
0x12: {  	s13 =	smax.u32 s4, $0x1;
	[dreg:$0x8] =	wrdreg s10;
	s10 =	sadd.s32 $0x1600, s2  }
.LBB2_1:
0x13: {  	s2 =	rddreg [dreg:$0x8]  }
0x14: {  	[tilespmem:s8], [sflag:$0x1] =	stream.linear.gather [hbm4b:s2+s8], $0x400, $0x38;
	[tilespmem:$0x10C00] =	vst v63  }
0x15: {  	_ = 	snop  }
0x16: {  	[tilespmem:s14], [sflag:$0x1] =	stream.linear.gather [hbm4b:s10+s8], $0x400, $0x38;
	[tilespmem:$0x10C00] =	vst v63  }
0x17: {  	s21 =	simm.s32 $0x800  }
0x18: {  	[tilespmem:s21], [sflag:$0x1] =	stream.linear.gather [hbm4b:s11+s8], $0x400, $0x38;
	[tilespmem:$0x10C00] =	vst v63  }
0x19: {  	_ =	swait.ge [sflag:s16], $0x400  }
0x1a: {  	[sflag:s16] =	ssyncset.done $0x0  }
0x1b: {  	[sflag:s16] =	ssyncadd.s32 $0xFFFFFC00  }
0x1c: {  	_ =	swait.ge [sflag:s16], $0x400  }
0x1d: {  	[sflag:s16] =	ssyncset.done $0x0  }
0x1e: {  	[sflag:s16] =	ssyncadd.s32 $0xFFFFFC00  }
0x1f: {  	_ =	swait.ge [sflag:s16], $0x400  }
0x20: {  	[sflag:s16] =	ssyncset.done $0x0  }
0x21: {  	[sflag:s16] =	ssyncadd.s32 $0xFFFFFC00  }
0x22: {  	[tilespmem:s18], [sflag:$0x1] =	stream.indirect.gather [hbm4b:s0+s17], $0x80, s8, s17, $0xb8;
	[tilespmem:$0x10C00] =	vst v63  }
0x23: {  	_ = 	snop  }
0x24: {  	[tilespmem:s19], [sflag:$0x1] =	stream.indirect.gather [hbm4b:s1+s17], $0x80, s14, s17, $0xb8;
	[tilespmem:$0x10C00] =	vst v63  }
0x25: {  	_ = 	snop  }
0x26: {  	[tilespmem:s20], [sflag:$0x1] =	stream.indirect.gather [hbm4b:s0+s17], $0x80, s21, s17, $0xb8;
	[tilespmem:$0x10C00] =	vst v63  }
0x27: {  	s31 =	simm.s32 $0x6C00;
	s2 =	simm.s32 $0x0  }
0x28: {  	[tilespmem:s31], [sflag:$0x1] =	stream.indirect.gather [hbm4b:s3+s17], $0x80, s14, s17, $0xb8;
	[tilespmem:$0x10C00] =	vst v63  }
.LBB2_2:
0x29: {  	p0 =	seq.s32 s2, $0x0  }
0x2a: {  	s4 =	simm.s32 @!p0 $0x4  }
0x2b: {  	_ =	swait.ge @!p0 [sflag:s4], $0x2000  }
0x2c: {  	[sflag:s4] =	ssyncset.done @!p0 $0x0  }
0x2d: {  	[sflag:s4] =	ssyncadd.s32 @!p0 $0xFFFFE000  }
0x2e: {  	_ =	swait.ge @!p0 [sflag:s4], $0x2000  }
0x2f: {  	[sflag:s4] =	ssyncset.done @!p0 $0x0  }
0x30: {  	[sflag:s4] =	ssyncadd.s32 @!p0 $0xFFFFE000  }
0x31: {  	s9 =	sshll.u32 s2, $0x1;
	_ =	swait.ge @!p0 [sflag:s4], $0x2000  }
0x32: {  	s31 =	sor.u32 $0x1, s9;
	[sflag:s4] =	ssyncset.done @!p0 $0x0  }
0x33: {  	s15 =	sshll.u32 s31, $0x7;
	[sflag:s4] =	ssyncadd.s32 @!p0 $0xFFFFE000  }
0x34: {  	[tilespmem:s22], [sflag:$0x2] =	stream.indirect.gather [hbm4b:s0+s17], $0x80, s15, s17, $0xb8;
	[tilespmem:$0x10C00] =	vst v63  }
0x35: {  	s21 =	sadd.s32 $0x400, s15  }
0x36: {  	[tilespmem:s23], [sflag:$0x2] =	stream.indirect.gather [hbm4b:s1+s17], $0x80, s21, s17, $0xb8;
	[tilespmem:$0x10C00] =	vst v63  }
0x37: {  	s4 =	sadd.s32 $0x800, s15  }
0x38: {  	[tilespmem:s24], [sflag:$0x2] =	stream.indirect.gather [hbm4b:s0+s17], $0x80, s4, s17, $0xb8;
	[tilespmem:$0x10C00] =	vst v63  }
0x39: {  	_ = 	snop  }
0x3a: {  	[tilespmem:s25], [sflag:$0x2] =	stream.indirect.gather [hbm4b:s3+s17], $0x80, s21, s17, $0xb8;
	[tilespmem:$0x10C00] =	vst v63  }
0x3b: {  	_ =	swait.ge [sflag:s16], $0x2000  }
0x3c: {  	[sflag:s16] =	ssyncset.done $0x0  }
0x3d: {  	[sflag:s16] =	ssyncadd.s32 $0xFFFFE000  }
0x3e: {  	_ =	swait.ge [sflag:s16], $0x2000  }
0x3f: {  	[sflag:s16] =	ssyncset.done $0x0  }
0x40: {  	[sflag:s16] =	ssyncadd.s32 $0xFFFFE000  }
0x41: {  	_ =	swait.ge [sflag:s16], $0x2000  }
0x42: {  	[sflag:s16] =	ssyncset.done $0x0  }
0x43: {  	[sflag:s16] =	ssyncadd.s32 $0xFFFFE000  }
0x44: {  	_ =	swait.ge [sflag:s16], $0x2000  }
0x45: {  	[sflag:s16] =	ssyncset.done $0x0  }
0x46: {  	s4 =	simm.s32 $0x0;
	[sflag:s16] =	ssyncadd.s32 $0xFFFFE000  }
0x47: {  	v2 =	vld [tilespmem:s4+$0x6C00]  }
0x48: {  	v1 =	vld [tilespmem:s4+$0x6C10];
	_ =	sdelay $0x1  }
0x49: {  	v5 =	vld [tilespmem:s4+$0x6C20];
	_ =	sdelay $0x1  }
0x4a: {  	v9 =	vld [tilespmem:s4+$0x6C30]  }
0x4b: {  	v0 =	vmul.f32 v2, v2;
	v3 =	vmul.f32 v1, v1  }
0x4c: {  	v6 =	vld [tilespmem:s4+$0x6C40]  }
0x4d: {  	v4 =	vmul.f32 v5, v5;
	v7 =	vadd.f32 v3, v0  }
0x4e: {  	v0 =	vld [tilespmem:s4+$0x6C50]  }
0x4f: {  	v16 =	vld [tilespmem:s4+$0x2C00];
	v8 =	vmul.f32 v9, v9;
	v4 =	vadd.f32 v4, v7  }
0x50: {  	v7 =	vld [tilespmem:s4+$0x6C60]  }
0x51: {  	v12 =	vld [tilespmem:s4+$0x2C10];
	v10 =	vmul.f32 v6, v6;
	v4 =	vadd.f32 v8, v4  }
0x52: {  	v3 =	vld [tilespmem:s4+$0x6C70]  }
0x53: {  	v31 =	vld [tilespmem:s4+$0x2C20];
	v8 =	vmul.f32 v0, v0;
	v4 =	vadd.f32 v10, v4;
	_ =	sdelay $0x1  }
0x54: {  	v30 =	vld [tilespmem:s4+$0x2C30];
	v10 =	vmul.f32 v7, v7;
	v4 =	vadd.f32 v8, v4  }
0x55: {  	v11 =	vmul.f32 v16, v2;
	v13 =	vmul.f32 v12, v1  }
0x56: {  	v25 =	vld [tilespmem:s4+$0x2C40];
	v8 =	vmul.f32 v3, v3;
	v4 =	vadd.f32 v10, v4  }
0x57: {  	v11 =	vadd.f32 v13, v11;
	v10 =	vmul.f32 v31, v5  }
0x58: {  	v32 =	vld [tilespmem:s4+$0x2C50];
	v4 =	vadd.f32 v8, v4  }
0x59: {  	v8 =	vmul.f32 v30, v9;
	v10 =	vadd.f32 v10, v11  }
0x5a: {  	v14 =	vld [tilespmem:s4+$0x2C60];
	(xrf2) =	vadd.scan.msk.f32 $0xffff, v4  }
0x5b: {  	v21 =	vld [tilespmem:s4+$0xC10];
	v4 =	vmul.f32 v25, v6;
	v8 =	vadd.f32 v8, v10  }
0x5c: {  	v28 =	vld [tilespmem:s4+$0x2C70]  }
0x5d: {  	v23 =	vld [tilespmem:s4+$0xC00];
	v4 =	vadd.f32 v4, v8;
	v8 =	vmul.f32 v32, v0;
	_ =	sdelay $0x1  }
0x5e: {  	v22 =	vld [tilespmem:s4+$0xC20];
	v10 =	vmul.f32 v14, v7;
	v4 =	vadd.f32 v8, v4  }
0x5f: {  	v24 =	vld [tilespmem:s4+$0xC30];
	v13 =	vmul.f32 v21, v1  }
0x60: {  	v26 =	vld [tilespmem:s4+$0xC40];
	v8 =	vmul.f32 v28, v3;
	v4 =	vadd.f32 v10, v4  }
0x61: {  	v11 =	vmul.f32 v23, v2;
	v10 =	vld [tilespmem:s4+$0x4C00]  }
0x62: {  	v4 =	vadd.f32 v8, v4;
	v8 =	vld [tilespmem:s4+$0x4C10]  }
0x63: {  	v27 =	vld [tilespmem:s4+$0xC50];
	v15 =	vmul.f32 v22, v5;
	v11 =	vadd.f32 v13, v11;
	v13, _, _ =	vpop (xrf2)  }
0x64: {  	v18 =	vld [tilespmem:s4+$0x4C20];
	(xrf2) =	vadd.scan.msk.f32 $0xffff, v4;
	v13 =	vmax.f32 v13, $1.000000020e-24  }
0x65: {  	v19 =	vld [tilespmem:s4+$0x4C30];
	v17 =	vmul.f32 v24, v9;
	v4 =	vadd.f32 v15, v11;
	v11 =	vbroadcast v13, $0xF  }
0x66: {  	v29 =	vld [tilespmem:s4+$0xC60];
	v15 =	vmul.f32 v10, v2;
	v13 =	vmul.f32 v26, v6  }
0x67: {  	v20 =	vld [tilespmem:s4+$0x4C40];
	v4 =	vadd.f32 v17, v4;
	v17 =	vmul.f32 v8, v1;
	(erf) = vrcp.f32 v11  }
0x68: {  	v33 =	vmul.f32 v27, v0;
	v11 =	vld [tilespmem:s4+$0xC70]  }
0x69: {  	v4 =	vadd.f32 v13, v4;
	v13 =	vadd.f32 v17, v15;
	v17 =	vmul.f32 v18, v5  }
0x6a: {  	v60 =	vmul.f32 v19, v9  }
0x6b: {  	v34 =	vmul.f32 v29, v7;
	v15 =	vld [tilespmem:s4+$0x4C50];
	v4 =	vadd.f32 v33, v4;
	v17 =	vadd.f32 v17, v13  }
0x6c: {  	v61 =	vmul.f32 v20, v6  }
0x6d: {  	v13 =	vld [tilespmem:s4+$0x4C60];
	v4 =	vadd.f32 v34, v4;
	v35 =	vmul.f32 v11, v3;
	v17 =	vadd.f32 v60, v17  }
0x6e: {  	v62, _, _ =	vpop (xrf2)  }
0x6f: {  	v4 =	vadd.f32 v35, v4;
	v34 =	vbroadcast v62, $0xF;
	v33 =	vadd.f32 v61, v17;
	v17 =	vld [tilespmem:s4+$0x4C70]  }
0x70: {  	v63 =	vmul.f32 v15, v0;
	v38 =	vpop (erf)  }
0x71: {  	s21 =	simm.s32 $0x80;
	(xrf2) =	vadd.scan.msk.f32 $0xffff, v4;
	v39 =	vmul.f32 v34, v38  }
0x72: {  	s15 =	simm.s32 $0x400;
	v41 =	vmul.f32 v13, v7;
	v4 =	vld [tilespmem:s21+$0x6C30];
	v40 =	vadd.f32 v63, v33  }
.LBB2_3:
0x73: {  	p0 =	sne.s32 s15, $0x7E00;
	v37 =	vld [tilespmem:s21+$0x6C20];
	v34 =	vmul.f32 v39, v5;
	s9 =	smov.u32 s15;
	s15 =	sadd.s32 $0x200, s15  }
0x74: {  	v42 =	vmul.f32 v39, v2;
	v33 =	vld [tilespmem:s21+$0x6C70];
	v40 =	vadd.f32 v41, v40;
	v41 =	vmul.f32 v17, v3  }
0x75: {  	v43 =	vmul.f32 v39, v6;
	v35 =	vld [tilespmem:s21+$0x6C00];
	v31 =	vsub.f32 v31, v34;
	v34 =	vmul.f32 v39, v9  }
0x76: {  	v16 =	vsub.f32 v16, v42;
	v36 =	vld [tilespmem:s21+$0x6C10];
	v40 =	vadd.f32 v41, v40;
	v41 =	vmul.f32 v39, v0  }
0x77: {  	v25 =	vsub.f32 v25, v43;
	v42 =	vld [tilespmem:s21+$0x6C50];
	[tilespmem:s4+$0x2C20] =	vst v31;
	v30 =	vsub.f32 v30, v34  }
0x78: {  	v43 =	vld [tilespmem:s21+$0x6C40];
	[tilespmem:s4+$0x2C00] =	vst v16;
	v31 =	vsub.f32 v32, v41;
	(xrf2) =	vadd.scan.msk.f32 $0xffff, v40  }
0x79: {  	v32 =	vmul.f32 v37, v37;
	v16 =	vld [tilespmem:s21+$0x2C00];
	[tilespmem:s4+$0x2C40] =	vst v25  }
0x7a: {  	v25 =	vmul.f32 v35, v35;
	[tilespmem:s4+$0x2C50] =	vst v31;
	v31 =	vmul.f32 v39, v3  }
0x7b: {  	v41 =	vmul.f32 v4, v4;
	v34 =	vld [tilespmem:s21+$0x6C60];
	v40 =	vmul.f32 v36, v36;
	v44, _, _ =	vpop (xrf2)  }
0x7c: {  	v45 =	vmul.f32 v39, v1;
	v44 =	vbroadcast v44, $0xF;
	v28 =	vsub.f32 v28, v31  }
0x7d: {  	v31 =	vadd.f32 v40, v25;
	v40 =	vmul.f32 v43, v43;
	[tilespmem:s4+$0x2C30] =	vst v30;
	v30 =	vmul.f32 v39, v7  }
0x7e: {  	v12 =	vsub.f32 v12, v45;
	v39 =	vmul.f32 v33, v33;
	v25 =	vld [tilespmem:s21+$0x2C40];
	v44 =	vmul.f32 v44, v38;
	[tilespmem:s4+$0x2C70] =	vst v28  }
0x7f: {  	v45 =	vmul.f32 v16, v35;
	v28 =	vadd.f32 v32, v31;
	v32 =	vmul.f32 v42, v42  }
0x80: {  	v14 =	vsub.f32 v14, v30;
	v46 =	vmul.f32 v34, v34;
	v47 =	vmul.f32 v44, v2;
	[tilespmem:s4+$0x2C10] =	vst v12  }
0x81: {  	v30 =	vmul.f32 v44, v5;
	v12 =	vld [tilespmem:s21+$0x2C10];
	v28 =	vadd.f32 v41, v28;
	v41 =	vmul.f32 v44, v7  }
0x82: {  	v48 =	vmul.f32 v44, v9;
	v31 =	vld [tilespmem:s21+$0x2C20];
	v23 =	vsub.f32 v23, v47;
	v47 =	vmul.f32 v44, v1;
	[tilespmem:s4+$0x2C60] =	vst v14;
	v49, _, _ =	vpop (xrf2)  }
0x83: {  	v22 =	vsub.f32 v22, v30;
	v14 =	vld [tilespmem:s21+$0x2C60];
	v40 =	vadd.f32 v40, v28;
	v50 =	vmul.f32 v25, v43  }
0x84: {  	v29 =	vsub.f32 v29, v41;
	v30 =	vld [tilespmem:s21+$0x2C30];
	[tilespmem:s4+$0xC00] =	vst v23;
	v21 =	vsub.f32 v21, v47;
	v23 =	vmul.f32 v44, v6  }
0x85: {  	v28 =	vld [tilespmem:s21+$0x2C70];
	v32 =	vadd.f32 v32, v40;
	v40 =	vbroadcast v49, $0xF;
	[tilespmem:s4+$0xC20] =	vst v22;
	v22 =	vsub.f32 v24, v48  }
0x86: {  	v24 =	vmul.f32 v12, v36;
	v23 =	vsub.f32 v26, v23;
	v26 =	vmul.f32 v44, v0;
	[tilespmem:s4+$0xC60] =	vst v29  }
0x87: {  	v29 =	vmul.f32 v31, v37;
	v41 =	vadd.f32 v46, v32;
	v38 =	vmul.f32 v40, v38;
	[tilespmem:s4+$0xC10] =	vst v21  }
0x88: {  	v21 =	vadd.f32 v24, v45;
	v40 =	vmul.f32 v14, v34;
	[tilespmem:s4+$0xC30] =	vst v22;
	v22 =	vsub.f32 v27, v26  }
0x89: {  	v32 =	vld [tilespmem:s21+$0x2C50];
	v24 =	vmul.f32 v30, v4;
	v26 =	vadd.f32 v39, v41;
	[tilespmem:s4+$0xC40] =	vst v23;
	v27 =	vmul.f32 v38, v6  }
0x8a: {  	v7 =	vmul.f32 v38, v7;
	v23 =	vld [tilespmem:s21+$0xC00];
	v21 =	vadd.f32 v29, v21;
	v39 =	vmul.f32 v28, v33;
	[tilespmem:s4+$0xC50] =	vst v22  }
0x8b: {  	v41 =	vmul.f32 v38, v0;
	v0 =	vmovc v42;
	v22 =	vld [tilespmem:s21+$0xC20];
	(xrf2) =	vadd.scan.msk.f32 $0xffff, v26;
	v26 =	vmul.f32 v38, v5;
	v5 =	vmov v37  }
0x8c: {  	v9 =	vmul.f32 v38, v9;
	v6 =	vmovc v43;
	v37 =	vmul.f32 v44, v3;
	v29 =	vld [tilespmem:s21+$0xC60];
	v24 =	vadd.f32 v24, v21  }
0x8d: {  	v42 =	vmul.f32 v38, v2;
	v43 =	vmul.f32 v38, v1;
	v2 =	vmovc v35;
	v21 =	vld [tilespmem:s21+$0xC10];
	v18 =	vsub.f32 v18, v26  }
0x8e: {  	v1 =	vmovc v36;
	v9 =	vsub.f32 v19, v9;
	v26 =	vadd.f32 v50, v24;
	v35 =	vmul.f32 v32, v0  }
0x8f: {  	v15 =	vsub.f32 v15, v41;
	v24 =	vld [tilespmem:s21+$0xC30];
	v19 =	vmul.f32 v23, v2;
	[tilespmem:s4+$0x4C20] =	vst v18;
	v18 =	vsub.f32 v20, v27  }
0x90: {  	v10 =	vsub.f32 v10, v42;
	v38 =	vmul.f32 v38, v3;
	v20 =	vadd.f32 v35, v26;
	[tilespmem:s4+$0x4C30] =	vst v9  }
0x91: {  	v8 =	vsub.f32 v8, v43;
	v9 =	vsub.f32 v11, v37;
	v26 =	vld [tilespmem:s21+$0xC40];
	v35 =	vmul.f32 v29, v34;
	[tilespmem:s4+$0x4C40] =	vst v18  }
0x92: {  	v36 =	vmul.f32 v22, v5;
	v11 =	vmul.f32 v21, v1;
	v18 =	vadd.f32 v40, v20;
	[tilespmem:s4+$0x4C00] =	vst v10  }
0x93: {  	v13 =	vsub.f32 v13, v7;
	v3 =	vmovc v33;
	v7 =	vmov v34;
	v20 =	vsub.f32 v17, v38;
	v27 =	vld [tilespmem:s21+$0xC50];
	[tilespmem:s4+$0xC70] =	vst v9  }
0x94: {  	v10 =	vld [tilespmem:s21+$0x4C00];
	v11 =	vadd.f32 v11, v19;
	v17 =	vmul.f32 v24, v4;
	v18 =	vadd.f32 v39, v18;
	[tilespmem:s4+$0x4C10] =	vst v8  }
0x95: {  	v9 =	vmov v4;
	v8 =	vld [tilespmem:s21+$0x4C10];
	v19, _, _ =	vpop (xrf2);
	[tilespmem:s4+$0x4C70] =	vst v20  }
0x96: {  	v4 =	vmul.f32 v26, v6;
	v19 =	vmax.f32 v19, $1.000000020e-24;
	(xrf2) =	vadd.scan.msk.f32 $0xffff, v18;
	[tilespmem:s4+$0x4C50] =	vst v15  }
0x97: {  	v15 =	vadd.f32 v36, v11;
	v18 =	vld [tilespmem:s21+$0x4C20];
	v20 =	vbroadcast v19, $0xF;
	[tilespmem:s4+$0x4C60] =	vst v13;
	s4 =	smov.u32 s21  }
0x98: {  	v11 =	vld [tilespmem:s4+$0xC70];
	v13 =	vmul.f32 v27, v0  }
0x99: {  	v15 =	vadd.f32 v17, v15;
	v19 =	vld [tilespmem:s4+$0x4C30];
	(erf) = vrcp.f32 v20  }
0x9a: {  	v17 =	vmul.f32 v10, v2;
	v33 =	vmul.f32 v8, v1  }
0x9b: {  	v4 =	vadd.f32 v4, v15;
	v20 =	vld [tilespmem:s4+$0x4C40]  }
0x9c: {  	v17 =	vadd.f32 v33, v17;
	v33 =	vmul.f32 v18, v5  }
0x9d: {  	v4 =	vadd.f32 v13, v4;
	v15 =	vld [tilespmem:s4+$0x4C50];
	v34 =	vmul.f32 v11, v3  }
0x9e: {  	v17 =	vadd.f32 v33, v17;
	v33 =	vmul.f32 v19, v9  }
0x9f: {  	v4 =	vadd.f32 v35, v4;
	v13 =	vld [tilespmem:s4+$0x4C60]  }
.Ltmp0:
0xa0: {  	v33 =	vadd.f32 v33, v17;
	v35 =	vmul.f32 v20, v6;
	v36, _, _ =	vpop (xrf2);
	(pc) =	sbr.rel @p0 .LBB2_3-.Ltmp0, $4  }
0xa1: {  	v4 =	vadd.f32 v34, v4;
	v17 =	vld [tilespmem:s4+$0x4C70];
	v34 =	vbroadcast v36, $0xF  }
0xa2: {  	v33 =	vadd.f32 v35, v33;
	v35 =	vmul.f32 v15, v0;
	v38 =	vpop (erf)  }
0xa3: {  	s21 =	sshra.s32 s9, $0x2;
	v39 =	vmul.f32 v34, v38;
	(xrf2) =	vadd.scan.msk.f32 $0xffff, v4  }
0xa4: {  	v4 =	vld [tilespmem:s21+$0x6C30];
	v40 =	vadd.f32 v35, v33;
	v41 =	vmul.f32 v13, v7  }
0xa5: {  	v36 =	vld [tilespmem:s21+$0x6C20];
	v34 =	vmul.f32 v39, v5  }
0xa6: {  	v33 =	vld [tilespmem:s21+$0x6C70];
	v37 =	vmul.f32 v39, v2  }
0xa7: {  	v35 =	vld [tilespmem:s21+$0x6C00];
	v42 =	vsub.f32 v31, v34  }
0xa8: {  	v43 =	vmul.f32 v39, v6;
	v34 =	vld [tilespmem:s21+$0x6C10];
	v16 =	vsub.f32 v16, v37  }
0xa9: {  	v52 =	vmul.f32 v39, v0;
	v40 =	vadd.f32 v41, v40;
	v31 =	vld [tilespmem:s21+$0x6C50];
	[tilespmem:s4+$0x2C20] =	vst v42  }
0xaa: {  	v55 =	vmul.f32 v17, v3;
	v43 =	vsub.f32 v25, v43;
	v37 =	vld [tilespmem:s21+$0x6C40];
	[tilespmem:s4+$0x2C00] =	vst v16;
	v16 =	vmul.f32 v39, v9  }
0xab: {  	v32 =	vsub.f32 v32, v52  }
0xac: {  	v40 =	vadd.f32 v55, v40;
	v25 =	vld [tilespmem:s21+$0x2C00];
	[tilespmem:s4+$0x2C40] =	vst v43;
	v30 =	vsub.f32 v30, v16  }
0xad: {  	v53 =	vmul.f32 v39, v3;
	[tilespmem:s4+$0x2C50] =	vst v32;
	v56, _, _ =	vpop (xrf2)  }
0xae: {  	v54 =	vmul.f32 v39, v1;
	(xrf2) =	vadd.scan.msk.f32 $0xffff, v40;
	v16 =	vld [tilespmem:s21+$0x6C60];
	[tilespmem:s4+$0x2C30] =	vst v30;
	v30 =	vbroadcast v56, $0xF  }
0xaf: {  	v32 =	vsub.f32 v28, v53  }
0xb0: {  	v57 =	vmul.f32 v39, v7;
	v12 =	vsub.f32 v12, v54;
	v58 =	vmul.f32 v30, v38  }
0xb1: {  	v28 =	vld [tilespmem:s21+$0x2C40];
	[tilespmem:s4+$0x2C70] =	vst v32  }
0xb2: {  	v14 =	vsub.f32 v14, v57;
	[tilespmem:s4+$0x2C10] =	vst v12;
	v59 =	vmul.f32 v58, v2;
	v62 =	vmul.f32 v58, v1  }
0xb3: {  	v45 =	vmul.f32 v35, v35;
	v12 =	vld [tilespmem:s21+$0x2C10];
	v61 =	vmul.f32 v58, v7  }
0xb4: {  	v46 =	vmul.f32 v34, v34;
	v30 =	vld [tilespmem:s21+$0x2C20];
	[tilespmem:s4+$0x2C60] =	vst v14;
	v39 =	vsub.f32 v23, v59;
	v21 =	vsub.f32 v21, v62  }
0xb5: {  	v14 =	vld [tilespmem:s21+$0x2C60];
	v60 =	vmul.f32 v58, v5;
	v63 =	vmul.f32 v58, v9;
	v29 =	vsub.f32 v29, v61  }
0xb6: {  	v48 =	vadd.f32 v46, v45;
	v47 =	vmul.f32 v58, v6;
	v23 =	vld [tilespmem:s21+$0x2C30];
	[tilespmem:s4+$0xC00] =	vst v39  }
0xb7: {  	v40 =	vsub.f32 v22, v60;
	v24 =	vsub.f32 v24, v63;
	v22 =	vld [tilespmem:s21+$0x2C70];
	[tilespmem:s4+$0xC60] =	vst v29;
	v29 =	vmul.f32 v36, v36  }
0xb8: {  	v49 =	vmul.f32 v58, v0;
	v26 =	vsub.f32 v26, v47;
	[tilespmem:s4+$0xC10] =	vst v21;
	v21, _, _ =	vpop (xrf2)  }
0xb9: {  	[tilespmem:s4+$0xC30] =	vst v24;
	v24 =	vmul.f32 v4, v4;
	v29 =	vadd.f32 v29, v48;
	v21 =	vbroadcast v21, $0xF  }
0xba: {  	v55 =	vmul.f32 v33, v33;
	v27 =	vsub.f32 v27, v49;
	[tilespmem:s4+$0xC20] =	vst v40  }
0xbb: {  	v50 =	vld [tilespmem:s21+$0x2C50];
	[tilespmem:s4+$0xC40] =	vst v26;
	v26 =	vmul.f32 v37, v37;
	v24 =	vadd.f32 v24, v29;
	v29 =	vmul.f32 v21, v38  }
0xbc: {  	v51 =	vmul.f32 v25, v35;
	v53 =	vmul.f32 v16, v16  }
0xbd: {  	v21 =	vld [tilespmem:s21+$0xC00];
	[tilespmem:s4+$0xC50] =	vst v27;
	v27 =	vmul.f32 v31, v31;
	v26 =	vadd.f32 v26, v24;
	v38 =	vmul.f32 v29, v5  }
0xbe: {  	v56 =	vmul.f32 v23, v4;
	v24 =	vld [tilespmem:s21+$0xC20];
	v52 =	vmul.f32 v29, v9  }
0xbf: {  	v5 =	vld [tilespmem:s21+$0xC60];
	v26 =	vadd.f32 v27, v26;
	v18 =	vsub.f32 v18, v38;
	v27 =	vmul.f32 v12, v34  }
0xc0: {  	v9 =	vld [tilespmem:s21+$0xC10];
	v54 =	vmul.f32 v29, v6;
	v2 =	vmul.f32 v29, v2  }
0xc1: {  	v6 =	vld [tilespmem:s21+$0xC30];
	v26 =	vadd.f32 v53, v26;
	[tilespmem:s4+$0x4C20] =	vst v18;
	v18 =	vmul.f32 v30, v36;
	v27 =	vadd.f32 v27, v51  }
0xc2: {  	v1 =	vmul.f32 v29, v1;
	v19 =	vsub.f32 v19, v52;
	v2 =	vsub.f32 v10, v2  }
0xc3: {  	v0 =	vmul.f32 v29, v0;
	v26 =	vadd.f32 v55, v26;
	v18 =	vadd.f32 v18, v27  }
0xc4: {  	v20 =	vsub.f32 v20, v54;
	v1 =	vsub.f32 v8, v1;
	[tilespmem:s4+$0x4C30] =	vst v19;
	v19 =	vmul.f32 v58, v3  }
0xc5: {  	v10 =	vld [tilespmem:s21+$0xC40];
	[tilespmem:s4+$0x4C00] =	vst v2;
	v2 =	vmul.f32 v28, v37;
	(xrf2) =	vadd.scan.msk.f32 $0xffff, v26;
	v18 =	vadd.f32 v56, v18  }
0xc6: {  	v8 =	vmul.f32 v50, v31;
	v3 =	vmul.f32 v29, v3;
	v11 =	vsub.f32 v11, v19  }
0xc7: {  	[tilespmem:s4+$0x4C40] =	vst v20;
	v20 =	vmul.f32 v9, v34;
	v2 =	vadd.f32 v2, v18;
	v18 =	vmul.f32 v21, v35  }
0xc8: {  	v7 =	vmul.f32 v29, v7;
	v0 =	vsub.f32 v15, v0;
	v19 =	vld [tilespmem:s21+$0xC50];
	v3 =	vsub.f32 v17, v3;
	[tilespmem:s4+$0xC70] =	vst v11  }
0xc9: {  	v11 =	vld [tilespmem:s21+$0x4C00];
	[tilespmem:s4+$0x4C10] =	vst v1;
	v2 =	vadd.f32 v8, v2;
	v8 =	vmul.f32 v24, v36;
	v17 =	vadd.f32 v20, v18  }
0xca: {  	v1 =	vmul.f32 v14, v16;
	v15 =	vld [tilespmem:s21+$0x4C10];
	[tilespmem:s4+$0x4C70] =	vst v3  }
0xcb: {  	v7 =	vsub.f32 v13, v7;
	[tilespmem:s4+$0x4C50] =	vst v0;
	v8 =	vadd.f32 v8, v17  }
0xcc: {  	v3 =	vmul.f32 v22, v33;
	v0 =	vadd.f32 v1, v2;
	v1 =	vmul.f32 v6, v4;
	v2 =	vld [tilespmem:s21+$0x4C20]  }
0xcd: {  	[tilespmem:s4+$0x4C60] =	vst v7  }
0xce: {  	v7 =	vld [tilespmem:s21+$0x4C30];
	v0 =	vadd.f32 v3, v0;
	v3 =	vmul.f32 v10, v37;
	v1 =	vadd.f32 v1, v8  }
0xcf: {  	v17 =	vmul.f32 v11, v35;
	v13 =	vld [tilespmem:s21+$0xC70];
	v18 =	vmul.f32 v15, v34;
	v8, _, _ =	vpop (xrf2)  }
0xd0: {  	v20 =	vld [tilespmem:s21+$0x4C40];
	(xrf2) =	vadd.scan.msk.f32 $0xffff, v0;
	v0 =	vmul.f32 v19, v31;
	v1 =	vadd.f32 v3, v1;
	v8 =	vmax.f32 v8, $1.000000020e-24  }
0xd1: {  	v3 =	vbroadcast v8, $0xF;
	v8 =	vadd.f32 v18, v17;
	v17 =	vmul.f32 v2, v36  }
0xd2: {  	v26 =	vld [tilespmem:s21+$0x4C50];
	v18 =	vmul.f32 v5, v16;
	v0 =	vadd.f32 v0, v1  }
0xd3: {  	(erf) = vrcp.f32 v3;
	v1 =	vadd.f32 v17, v8;
	v3 =	vmul.f32 v7, v4  }
0xd4: {  	v8 =	vmul.f32 v13, v33  }
0xd5: {  	v17 =	vld [tilespmem:s21+$0x4C60];
	v0 =	vadd.f32 v18, v0;
	v1 =	vadd.f32 v3, v1;
	v3 =	vmul.f32 v20, v37;
	_ =	sdelay $0x1  }
0xd6: {  	v18 =	vld [tilespmem:s21+$0x4C70];
	v0 =	vadd.f32 v8, v0;
	v1 =	vadd.f32 v3, v1;
	v3 =	vmul.f32 v26, v31;
	_ =	sdelay $0x1  }
0xd7: {  	(xrf2) =	vadd.scan.msk.f32 $0xffff, v0  }
0xd8: {  	v0 =	vadd.f32 v3, v1;
	v1 =	vmul.f32 v17, v16  }
0xd9: {  	v3, _, _ =	vpop (xrf2)  }
0xda: {  	v0 =	vadd.f32 v1, v0;
	v1 =	vmul.f32 v18, v33;
	v3 =	vbroadcast v3, $0xF  }
0xdb: {  	v8 =	vpop (erf)  }
0xdc: {  	v0 =	vadd.f32 v1, v0;
	v3 =	vmul.f32 v3, v8;
	_ =	sdelay $0x1  }
0xdd: {  	(xrf2) =	vadd.scan.msk.f32 $0xffff, v0;
	v1 =	vmul.f32 v3, v36  }
0xde: {  	v0 =	vmul.f32 v3, v35  }
0xdf: {  	v27 =	vmul.f32 v3, v37;
	v1 =	vsub.f32 v30, v1  }
0xe0: {  	v29, _, _ =	vpop (xrf2);
	v0 =	vsub.f32 v25, v0;
	v25 =	vmul.f32 v3, v31  }
0xe1: {  	v30 =	vmul.f32 v3, v4;
	[tilespmem:s21+$0x2C20] =	vst v1;
	v1 =	vsub.f32 v28, v27;
	v27 =	vbroadcast v29, $0xF  }
0xe2: {  	[tilespmem:s21+$0x2C00] =	vst v0;
	v0 =	vsub.f32 v50, v25;
	v25 =	vmul.f32 v3, v33  }
0xe3: {  	v23 =	vsub.f32 v23, v30;
	[tilespmem:s21+$0x2C40] =	vst v1;
	v1 =	vmul.f32 v3, v34;
	v27 =	vmul.f32 v27, v8  }
0xe4: {  	[tilespmem:s21+$0x2C50] =	vst v0;
	v0 =	vsub.f32 v22, v25;
	v3 =	vmul.f32 v3, v16  }
0xe5: {  	[tilespmem:s21+$0x2C30] =	vst v23;
	v1 =	vsub.f32 v12, v1;
	v12 =	vmul.f32 v27, v35  }
0xe6: {  	[tilespmem:s21+$0x2C70] =	vst v0;
	v0 =	vsub.f32 v14, v3;
	v3 =	vmul.f32 v27, v36  }
0xe7: {  	v14, _, _ =	vpop (xrf2);
	[tilespmem:s21+$0x2C10] =	vst v1;
	v1 =	vmul.f32 v27, v16;
	v12 =	vsub.f32 v21, v12  }
0xe8: {  	v21 =	vmul.f32 v27, v34;
	[tilespmem:s21+$0x2C60] =	vst v0;
	v0 =	vsub.f32 v24, v3;
	v3 =	vbroadcast v14, $0xF  }
0xe9: {  	v14 =	vmul.f32 v27, v4;
	[tilespmem:s21+$0xC00] =	vst v12;
	v1 =	vsub.f32 v5, v1  }
0xea: {  	v5 =	vsub.f32 v9, v21;
	v9 =	vmul.f32 v27, v37;
	[tilespmem:s21+$0xC20] =	vst v0;
	v0 =	vmul.f32 v3, v8  }
0xeb: {  	v3 =	vsub.f32 v6, v14;
	v6 =	vmul.f32 v27, v31;
	[tilespmem:s21+$0xC60] =	vst v1  }
0xec: {  	v1 =	vsub.f32 v10, v9;
	[tilespmem:s21+$0xC10] =	vst v5;
	v5 =	vmul.f32 v0, v36  }
0xed: {  	[tilespmem:s21+$0xC30] =	vst v3;
	v3 =	vsub.f32 v19, v6;
	v4 =	vmul.f32 v0, v4  }
0xee: {  	[tilespmem:s21+$0xC40] =	vst v1;
	v1 =	vmul.f32 v0, v37;
	v2 =	vsub.f32 v2, v5  }
0xef: {  	[tilespmem:s21+$0xC50] =	vst v3;
	v3 =	vmul.f32 v0, v35;
	v4 =	vsub.f32 v7, v4  }
0xf0: {  	v5 =	vmul.f32 v27, v33;
	[tilespmem:s21+$0x4C20] =	vst v2;
	v1 =	vsub.f32 v20, v1  }
0xf1: {  	v2 =	vmul.f32 v0, v34;
	v3 =	vsub.f32 v11, v3;
	[tilespmem:s21+$0x4C30] =	vst v4  }
0xf2: {  	v4 =	vmul.f32 v0, v33;
	[tilespmem:s21+$0x4C40] =	vst v1;
	v1 =	vsub.f32 v13, v5  }
0xf3: {  	v5 =	vmul.f32 v0, v31;
	v2 =	vsub.f32 v15, v2;
	[tilespmem:s21+$0x4C00] =	vst v3  }
0xf4: {  	v0 =	vmul.f32 v0, v16;
	[tilespmem:s21+$0xC70] =	vst v1;
	v1 =	vsub.f32 v18, v4  }
0xf5: {  	v3 =	vsub.f32 v26, v5;
	[tilespmem:s21+$0x4C10] =	vst v2  }
0xf6: {  	s15 =	sshll.u32 s2, $0xB;
	v0 =	vsub.f32 v17, v0;
	[tilespmem:s21+$0x4C70] =	vst v1  }
0xf7: {  	s4 =	sadd.s32 s12, s15;
	[tilespmem:s21+$0x4C50] =	vst v3  }
0xf8: {  	s9 =	sadd.s32 s5, s4;
	[tilespmem:s21+$0x4C60] =	vst v0  }
0xf9: {  	[hbm4b:s9+s8] =	stream.linear.scatter [tilespmem:s18], [sflag:$0x3], $0x2000, $0x38;
	[tilespmem:$0x10C00] =	vst v63  }
0xfa: {  	s21 =	sadd.s32 s6, s4  }
0xfb: {  	[hbm4b:s21+s8] =	stream.linear.scatter [tilespmem:s19], [sflag:$0x3], $0x2000, $0x38;
	[tilespmem:$0x10C00] =	vst v63  }
0xfc: {  	p0 =	seq.s32 s2, $0x3;
	s4 =	sadd.s32 s7, s4  }
0xfd: {  	[hbm4b:s4+s8] =	stream.linear.scatter [tilespmem:s20], [sflag:$0x3], $0x2000, $0x38;
	[tilespmem:$0x10C00] =	vst v63  }
0xfe: {  	s4 =	simm.s32 @!p0 $0x3  }
0xff: {  	_ =	swait.ge @!p0 [sflag:s4], $0x2000  }
0x100: {  	[sflag:s4] =	ssyncset.done @!p0 $0x0  }
0x101: {  	[sflag:s4] =	ssyncadd.s32 @!p0 $0xFFFFE000  }
0x102: {  	_ =	swait.ge @!p0 [sflag:s4], $0x2000  }
0x103: {  	[sflag:s4] =	ssyncset.done @!p0 $0x0  }
0x104: {  	[sflag:s4] =	ssyncadd.s32 @!p0 $0xFFFFE000  }
0x105: {  	_ =	swait.ge @!p0 [sflag:s4], $0x2000  }
0x106: {  	[sflag:s4] =	ssyncset.done @!p0 $0x0  }
0x107: {  	[sflag:s4] =	ssyncadd.s32 @!p0 $0xFFFFE000;
	s4 =	sshll.u32 @!p0 s2, $0x8  }
0x108: {  	s15 =	simm.s32 @!p0 $0x40;
	s21 =	simm.s32 @!p0 $0xC00;
	s9 =	sadd.s32 @!p0 $0x100, s4  }
0x109: {  	[tilespmem:s21], [sflag:$0x1] =	stream.indirect.gather @!p0 [hbm4b:s0+s15], $0x80, s9, s15, $0xb8;
	[tilespmem:$0x10C00] =	vst v63  }
0x10a: {  	s9 =	sadd.s32 @!p0 $0x500, s4;
	s21 =	simm.s32 @!p0 $0x2C00  }
0x10b: {  	[tilespmem:s21], [sflag:$0x1] =	stream.indirect.gather @!p0 [hbm4b:s1+s15], $0x80, s9, s15, $0xb8;
	[tilespmem:$0x10C00] =	vst v63  }
0x10c: {  	s4 =	sadd.s32 @!p0 $0x900, s4;
	s21 =	simm.s32 @!p0 $0x4C00  }
0x10d: {  	[tilespmem:s21], [sflag:$0x1] =	stream.indirect.gather @!p0 [hbm4b:s0+s15], $0x80, s4, s15, $0xb8;
	[tilespmem:$0x10C00] =	vst v63  }
0x10e: {  	s4 =	simm.s32 @!p0 $0x6C00  }
0x10f: {  	[tilespmem:s4], [sflag:$0x1] =	stream.indirect.gather @!p0 [hbm4b:s3+s15], $0x80, s9, s15, $0xb8;
	[tilespmem:$0x10C00] =	vst v63  }
0x110: {  	_ =	swait.ge [sflag:s26], $0x2000  }
0x111: {  	[sflag:s26] =	ssyncset.done $0x0  }
0x112: {  	[sflag:s26] =	ssyncadd.s32 $0xFFFFE000  }
0x113: {  	_ =	swait.ge [sflag:s26], $0x2000  }
0x114: {  	[sflag:s26] =	ssyncset.done $0x0  }
0x115: {  	[sflag:s26] =	ssyncadd.s32 $0xFFFFE000  }
0x116: {  	_ =	swait.ge [sflag:s26], $0x2000  }
0x117: {  	[sflag:s26] =	ssyncset.done $0x0  }
0x118: {  	[sflag:s26] =	ssyncadd.s32 $0xFFFFE000  }
0x119: {  	_ =	swait.ge [sflag:s26], $0x2000  }
0x11a: {  	[sflag:s26] =	ssyncset.done $0x0  }
0x11b: {  	s4 =	simm.s32 $0x0;
	[sflag:s26] =	ssyncadd.s32 $0xFFFFE000  }
0x11c: {  	v2 =	vld [tilespmem:s4+$0xEC00]  }
0x11d: {  	v1 =	vld [tilespmem:s4+$0xEC10];
	_ =	sdelay $0x1  }
0x11e: {  	v5 =	vld [tilespmem:s4+$0xEC20];
	_ =	sdelay $0x1  }
0x11f: {  	v9 =	vld [tilespmem:s4+$0xEC30]  }
0x120: {  	v0 =	vmul.f32 v2, v2;
	v3 =	vmul.f32 v1, v1  }
0x121: {  	v6 =	vld [tilespmem:s4+$0xEC40]  }
0x122: {  	v4 =	vmul.f32 v5, v5;
	v7 =	vadd.f32 v3, v0  }
0x123: {  	v0 =	vld [tilespmem:s4+$0xEC50]  }
0x124: {  	v16 =	vld [tilespmem:s4+$0xAC00];
	v8 =	vmul.f32 v9, v9;
	v4 =	vadd.f32 v4, v7  }
0x125: {  	v7 =	vld [tilespmem:s4+$0xEC60]  }
0x126: {  	v12 =	vld [tilespmem:s4+$0xAC10];
	v10 =	vmul.f32 v6, v6;
	v4 =	vadd.f32 v8, v4  }
0x127: {  	v3 =	vld [tilespmem:s4+$0xEC70]  }
0x128: {  	v31 =	vld [tilespmem:s4+$0xAC20];
	v8 =	vmul.f32 v0, v0;
	v4 =	vadd.f32 v10, v4;
	_ =	sdelay $0x1  }
0x129: {  	v30 =	vld [tilespmem:s4+$0xAC30];
	v10 =	vmul.f32 v7, v7;
	v4 =	vadd.f32 v8, v4  }
0x12a: {  	v11 =	vmul.f32 v16, v2;
	v13 =	vmul.f32 v12, v1  }
0x12b: {  	v25 =	vld [tilespmem:s4+$0xAC40];
	v8 =	vmul.f32 v3, v3;
	v4 =	vadd.f32 v10, v4  }
0x12c: {  	v11 =	vadd.f32 v13, v11;
	v10 =	vmul.f32 v31, v5  }
0x12d: {  	v32 =	vld [tilespmem:s4+$0xAC50];
	v4 =	vadd.f32 v8, v4  }
0x12e: {  	v8 =	vmul.f32 v30, v9;
	v10 =	vadd.f32 v10, v11  }
0x12f: {  	v14 =	vld [tilespmem:s4+$0xAC60];
	(xrf2) =	vadd.scan.msk.f32 $0xffff, v4  }
0x130: {  	v21 =	vld [tilespmem:s4+$0x8C10];
	v4 =	vmul.f32 v25, v6;
	v8 =	vadd.f32 v8, v10  }
0x131: {  	v28 =	vld [tilespmem:s4+$0xAC70]  }
0x132: {  	v23 =	vld [tilespmem:s4+$0x8C00];
	v4 =	vadd.f32 v4, v8;
	v8 =	vmul.f32 v32, v0;
	_ =	sdelay $0x1  }
0x133: {  	v22 =	vld [tilespmem:s4+$0x8C20];
	v10 =	vmul.f32 v14, v7;
	v4 =	vadd.f32 v8, v4  }
0x134: {  	v24 =	vld [tilespmem:s4+$0x8C30];
	v13 =	vmul.f32 v21, v1  }
0x135: {  	v26 =	vld [tilespmem:s4+$0x8C40];
	v8 =	vmul.f32 v28, v3;
	v4 =	vadd.f32 v10, v4  }
0x136: {  	v11 =	vmul.f32 v23, v2;
	v10 =	vld [tilespmem:s4+$0xCC00]  }
0x137: {  	v4 =	vadd.f32 v8, v4;
	v8 =	vld [tilespmem:s4+$0xCC10]  }
0x138: {  	v27 =	vld [tilespmem:s4+$0x8C50];
	v15 =	vmul.f32 v22, v5;
	v11 =	vadd.f32 v13, v11;
	v13, _, _ =	vpop (xrf2)  }
0x139: {  	v18 =	vld [tilespmem:s4+$0xCC20];
	(xrf2) =	vadd.scan.msk.f32 $0xffff, v4;
	v13 =	vmax.f32 v13, $1.000000020e-24  }
0x13a: {  	v19 =	vld [tilespmem:s4+$0xCC30];
	v17 =	vmul.f32 v24, v9;
	v4 =	vadd.f32 v15, v11;
	v11 =	vbroadcast v13, $0xF  }
0x13b: {  	v29 =	vld [tilespmem:s4+$0x8C60];
	v15 =	vmul.f32 v10, v2;
	v13 =	vmul.f32 v26, v6  }
0x13c: {  	v20 =	vld [tilespmem:s4+$0xCC40];
	v4 =	vadd.f32 v17, v4;
	v17 =	vmul.f32 v8, v1;
	(erf) = vrcp.f32 v11  }
0x13d: {  	v57 =	vmul.f32 v27, v0;
	v11 =	vld [tilespmem:s4+$0x8C70]  }
0x13e: {  	v4 =	vadd.f32 v13, v4;
	v13 =	vadd.f32 v17, v15;
	v17 =	vmul.f32 v18, v5  }
0x13f: {  	v59 =	vmul.f32 v19, v9  }
0x140: {  	v58 =	vmul.f32 v29, v7;
	v15 =	vld [tilespmem:s4+$0xCC50];
	v4 =	vadd.f32 v57, v4;
	v17 =	vadd.f32 v17, v13  }
0x141: {  	v61 =	vmul.f32 v20, v6  }
0x142: {  	v13 =	vld [tilespmem:s4+$0xCC60];
	v4 =	vadd.f32 v58, v4;
	v60 =	vmul.f32 v11, v3;
	v17 =	vadd.f32 v59, v17  }
0x143: {  	v62, _, _ =	vpop (xrf2)  }
0x144: {  	v4 =	vadd.f32 v60, v4;
	v34 =	vbroadcast v62, $0xF;
	v33 =	vadd.f32 v61, v17;
	v17 =	vld [tilespmem:s4+$0xCC70]  }
0x145: {  	v63 =	vmul.f32 v15, v0;
	v38 =	vpop (erf)  }
0x146: {  	s21 =	simm.s32 $0x80;
	(xrf2) =	vadd.scan.msk.f32 $0xffff, v4;
	v39 =	vmul.f32 v34, v38  }
0x147: {  	s2 =	sadd.s32 $0x1, s2;
	s15 =	simm.s32 $0x400;
	v41 =	vmul.f32 v13, v7;
	v4 =	vld [tilespmem:s21+$0xEC30];
	v40 =	vadd.f32 v63, v33  }
.LBB2_5:
0x148: {  	p0 =	sne.s32 s15, $0x7E00;
	v37 =	vld [tilespmem:s21+$0xEC20];
	v34 =	vmul.f32 v39, v5;
	s9 =	smov.u32 s15;
	s15 =	sadd.s32 $0x200, s15  }
0x149: {  	v42 =	vmul.f32 v39, v2;
	v33 =	vld [tilespmem:s21+$0xEC70];
	v40 =	vadd.f32 v41, v40;
	v41 =	vmul.f32 v17, v3  }
0x14a: {  	v43 =	vmul.f32 v39, v6;
	v35 =	vld [tilespmem:s21+$0xEC00];
	v31 =	vsub.f32 v31, v34;
	v34 =	vmul.f32 v39, v9  }
0x14b: {  	v16 =	vsub.f32 v16, v42;
	v36 =	vld [tilespmem:s21+$0xEC10];
	v40 =	vadd.f32 v41, v40;
	v41 =	vmul.f32 v39, v0  }
0x14c: {  	v25 =	vsub.f32 v25, v43;
	v42 =	vld [tilespmem:s21+$0xEC50];
	[tilespmem:s4+$0xAC20] =	vst v31;
	v30 =	vsub.f32 v30, v34  }
0x14d: {  	v43 =	vld [tilespmem:s21+$0xEC40];
	[tilespmem:s4+$0xAC00] =	vst v16;
	v31 =	vsub.f32 v32, v41;
	(xrf2) =	vadd.scan.msk.f32 $0xffff, v40  }
0x14e: {  	v32 =	vmul.f32 v37, v37;
	v16 =	vld [tilespmem:s21+$0xAC00];
	[tilespmem:s4+$0xAC40] =	vst v25  }
0x14f: {  	v25 =	vmul.f32 v35, v35;
	[tilespmem:s4+$0xAC50] =	vst v31;
	v31 =	vmul.f32 v39, v3  }
0x150: {  	v41 =	vmul.f32 v4, v4;
	v34 =	vld [tilespmem:s21+$0xEC60];
	v40 =	vmul.f32 v36, v36;
	v44, _, _ =	vpop (xrf2)  }
0x151: {  	v45 =	vmul.f32 v39, v1;
	v44 =	vbroadcast v44, $0xF;
	v28 =	vsub.f32 v28, v31  }
0x152: {  	v31 =	vadd.f32 v40, v25;
	v40 =	vmul.f32 v43, v43;
	[tilespmem:s4+$0xAC30] =	vst v30;
	v30 =	vmul.f32 v39, v7  }
0x153: {  	v12 =	vsub.f32 v12, v45;
	v39 =	vmul.f32 v33, v33;
	v25 =	vld [tilespmem:s21+$0xAC40];
	v44 =	vmul.f32 v44, v38;
	[tilespmem:s4+$0xAC70] =	vst v28  }
0x154: {  	v45 =	vmul.f32 v16, v35;
	v28 =	vadd.f32 v32, v31;
	v32 =	vmul.f32 v42, v42  }
0x155: {  	v14 =	vsub.f32 v14, v30;
	v46 =	vmul.f32 v34, v34;
	v47 =	vmul.f32 v44, v2;
	[tilespmem:s4+$0xAC10] =	vst v12  }
0x156: {  	v30 =	vmul.f32 v44, v5;
	v12 =	vld [tilespmem:s21+$0xAC10];
	v28 =	vadd.f32 v41, v28;
	v41 =	vmul.f32 v44, v7  }
0x157: {  	v48 =	vmul.f32 v44, v9;
	v31 =	vld [tilespmem:s21+$0xAC20];
	v23 =	vsub.f32 v23, v47;
	v47 =	vmul.f32 v44, v1;
	[tilespmem:s4+$0xAC60] =	vst v14;
	v49, _, _ =	vpop (xrf2)  }
0x158: {  	v22 =	vsub.f32 v22, v30;
	v14 =	vld [tilespmem:s21+$0xAC60];
	v40 =	vadd.f32 v40, v28;
	v50 =	vmul.f32 v25, v43  }
0x159: {  	v29 =	vsub.f32 v29, v41;
	v30 =	vld [tilespmem:s21+$0xAC30];
	[tilespmem:s4+$0x8C00] =	vst v23;
	v21 =	vsub.f32 v21, v47;
	v23 =	vmul.f32 v44, v6  }
0x15a: {  	v28 =	vld [tilespmem:s21+$0xAC70];
	v32 =	vadd.f32 v32, v40;
	v40 =	vbroadcast v49, $0xF;
	[tilespmem:s4+$0x8C20] =	vst v22;
	v22 =	vsub.f32 v24, v48  }
0x15b: {  	v24 =	vmul.f32 v12, v36;
	v23 =	vsub.f32 v26, v23;
	v26 =	vmul.f32 v44, v0;
	[tilespmem:s4+$0x8C60] =	vst v29  }
0x15c: {  	v29 =	vmul.f32 v31, v37;
	v41 =	vadd.f32 v46, v32;
	v38 =	vmul.f32 v40, v38;
	[tilespmem:s4+$0x8C10] =	vst v21  }
0x15d: {  	v21 =	vadd.f32 v24, v45;
	v40 =	vmul.f32 v14, v34;
	[tilespmem:s4+$0x8C30] =	vst v22;
	v22 =	vsub.f32 v27, v26  }
0x15e: {  	v32 =	vld [tilespmem:s21+$0xAC50];
	v24 =	vmul.f32 v30, v4;
	v26 =	vadd.f32 v39, v41;
	[tilespmem:s4+$0x8C40] =	vst v23;
	v27 =	vmul.f32 v38, v6  }
0x15f: {  	v7 =	vmul.f32 v38, v7;
	v23 =	vld [tilespmem:s21+$0x8C00];
	v21 =	vadd.f32 v29, v21;
	v39 =	vmul.f32 v28, v33;
	[tilespmem:s4+$0x8C50] =	vst v22  }
0x160: {  	v41 =	vmul.f32 v38, v0;
	v0 =	vmovc v42;
	v22 =	vld [tilespmem:s21+$0x8C20];
	(xrf2) =	vadd.scan.msk.f32 $0xffff, v26;
	v26 =	vmul.f32 v38, v5;
	v5 =	vmov v37  }
0x161: {  	v9 =	vmul.f32 v38, v9;
	v6 =	vmovc v43;
	v37 =	vmul.f32 v44, v3;
	v29 =	vld [tilespmem:s21+$0x8C60];
	v24 =	vadd.f32 v24, v21  }
0x162: {  	v42 =	vmul.f32 v38, v2;
	v43 =	vmul.f32 v38, v1;
	v2 =	vmovc v35;
	v21 =	vld [tilespmem:s21+$0x8C10];
	v18 =	vsub.f32 v18, v26  }
0x163: {  	v1 =	vmovc v36;
	v9 =	vsub.f32 v19, v9;
	v26 =	vadd.f32 v50, v24;
	v35 =	vmul.f32 v32, v0  }
0x164: {  	v15 =	vsub.f32 v15, v41;
	v24 =	vld [tilespmem:s21+$0x8C30];
	v19 =	vmul.f32 v23, v2;
	[tilespmem:s4+$0xCC20] =	vst v18;
	v18 =	vsub.f32 v20, v27  }
0x165: {  	v10 =	vsub.f32 v10, v42;
	v38 =	vmul.f32 v38, v3;
	v20 =	vadd.f32 v35, v26;
	[tilespmem:s4+$0xCC30] =	vst v9  }
0x166: {  	v8 =	vsub.f32 v8, v43;
	v9 =	vsub.f32 v11, v37;
	v26 =	vld [tilespmem:s21+$0x8C40];
	v35 =	vmul.f32 v29, v34;
	[tilespmem:s4+$0xCC40] =	vst v18  }
0x167: {  	v36 =	vmul.f32 v22, v5;
	v11 =	vmul.f32 v21, v1;
	v18 =	vadd.f32 v40, v20;
	[tilespmem:s4+$0xCC00] =	vst v10  }
0x168: {  	v13 =	vsub.f32 v13, v7;
	v3 =	vmovc v33;
	v7 =	vmov v34;
	v20 =	vsub.f32 v17, v38;
	v27 =	vld [tilespmem:s21+$0x8C50];
	[tilespmem:s4+$0x8C70] =	vst v9  }
0x169: {  	v10 =	vld [tilespmem:s21+$0xCC00];
	v11 =	vadd.f32 v11, v19;
	v17 =	vmul.f32 v24, v4;
	v18 =	vadd.f32 v39, v18;
	[tilespmem:s4+$0xCC10] =	vst v8  }
0x16a: {  	v9 =	vmov v4;
	v8 =	vld [tilespmem:s21+$0xCC10];
	v19, _, _ =	vpop (xrf2);
	[tilespmem:s4+$0xCC70] =	vst v20  }
0x16b: {  	v4 =	vmul.f32 v26, v6;
	v19 =	vmax.f32 v19, $1.000000020e-24;
	(xrf2) =	vadd.scan.msk.f32 $0xffff, v18;
	[tilespmem:s4+$0xCC50] =	vst v15  }
0x16c: {  	v15 =	vadd.f32 v36, v11;
	v18 =	vld [tilespmem:s21+$0xCC20];
	v20 =	vbroadcast v19, $0xF;
	[tilespmem:s4+$0xCC60] =	vst v13;
	s4 =	smov.u32 s21  }
0x16d: {  	v11 =	vld [tilespmem:s4+$0x8C70];
	v13 =	vmul.f32 v27, v0  }
0x16e: {  	v15 =	vadd.f32 v17, v15;
	v19 =	vld [tilespmem:s4+$0xCC30];
	(erf) = vrcp.f32 v20  }
0x16f: {  	v17 =	vmul.f32 v10, v2;
	v33 =	vmul.f32 v8, v1  }
0x170: {  	v4 =	vadd.f32 v4, v15;
	v20 =	vld [tilespmem:s4+$0xCC40]  }
0x171: {  	v17 =	vadd.f32 v33, v17;
	v33 =	vmul.f32 v18, v5  }
0x172: {  	v4 =	vadd.f32 v13, v4;
	v15 =	vld [tilespmem:s4+$0xCC50];
	v34 =	vmul.f32 v11, v3  }
0x173: {  	v17 =	vadd.f32 v33, v17;
	v33 =	vmul.f32 v19, v9  }
0x174: {  	v4 =	vadd.f32 v35, v4;
	v13 =	vld [tilespmem:s4+$0xCC60]  }
.Ltmp1:
0x175: {  	v33 =	vadd.f32 v33, v17;
	v35 =	vmul.f32 v20, v6;
	v36, _, _ =	vpop (xrf2);
	(pc) =	sbr.rel @p0 .LBB2_5-.Ltmp1, $4  }
0x176: {  	v4 =	vadd.f32 v34, v4;
	v17 =	vld [tilespmem:s4+$0xCC70];
	v34 =	vbroadcast v36, $0xF  }
0x177: {  	v33 =	vadd.f32 v35, v33;
	v35 =	vmul.f32 v15, v0;
	v38 =	vpop (erf)  }
0x178: {  	s21 =	sshra.s32 s9, $0x2;
	v39 =	vmul.f32 v34, v38;
	(xrf2) =	vadd.scan.msk.f32 $0xffff, v4  }
0x179: {  	v4 =	vld [tilespmem:s21+$0xEC30];
	v40 =	vadd.f32 v35, v33;
	v41 =	vmul.f32 v13, v7  }
0x17a: {  	_ =	sdelay $0x1  }
0x17b: {  	v36 =	vld [tilespmem:s21+$0xEC20];
	v34 =	vmul.f32 v39, v5  }
0x17c: {  	v33 =	vld [tilespmem:s21+$0xEC70];
	v37 =	vmul.f32 v39, v2  }
0x17d: {  	v35 =	vld [tilespmem:s21+$0xEC00];
	v43 =	vmul.f32 v39, v6;
	v42 =	vsub.f32 v31, v34  }
0x17e: {  	v54 =	vmul.f32 v39, v0;
	v55 =	vmul.f32 v39, v9;
	v34 =	vld [tilespmem:s21+$0xEC10];
	v16 =	vsub.f32 v16, v37  }
0x17f: {  	v40 =	vadd.f32 v41, v40;
	v58 =	vmul.f32 v17, v3;
	v31 =	vld [tilespmem:s21+$0xEC50];
	v43 =	vsub.f32 v25, v43;
	[tilespmem:s4+$0xAC20] =	vst v42  }
0x180: {  	v56 =	vmul.f32 v39, v3;
	v32 =	vsub.f32 v32, v54;
	v37 =	vld [tilespmem:s21+$0xEC40];
	[tilespmem:s4+$0xAC00] =	vst v16  }
0x181: {  	v30 =	vsub.f32 v30, v55;
	v40 =	vadd.f32 v58, v40;
	v25 =	vld [tilespmem:s21+$0xAC00];
	[tilespmem:s4+$0xAC40] =	vst v43;
	v59, _, _ =	vpop (xrf2)  }
0x182: {  	v57 =	vmul.f32 v39, v1;
	[tilespmem:s4+$0xAC50] =	vst v32;
	v32 =	vsub.f32 v28, v56;
	v60 =	vbroadcast v59, $0xF  }
0x183: {  	(xrf2) =	vadd.scan.msk.f32 $0xffff, v40;
	v16 =	vld [tilespmem:s21+$0xEC60];
	[tilespmem:s4+$0xAC30] =	vst v30  }
0x184: {  	v61 =	vmul.f32 v39, v7;
	v12 =	vsub.f32 v12, v57;
	v28 =	vld [tilespmem:s21+$0xAC40];
	[tilespmem:s4+$0xAC70] =	vst v32;
	v32 =	vmul.f32 v60, v38;
	_ =	sdelay $0x1  }
0x185: {  	v14 =	vsub.f32 v14, v61;
	v48 =	vmul.f32 v35, v35;
	[tilespmem:s4+$0xAC10] =	vst v12;
	v62 =	vmul.f32 v32, v2  }
0x186: {  	v49 =	vmul.f32 v34, v34;
	v12 =	vld [tilespmem:s21+$0xAC10];
	v45 =	vmul.f32 v32, v7  }
0x187: {  	v51 =	vmul.f32 v36, v36;
	v30 =	vld [tilespmem:s21+$0xAC20];
	[tilespmem:s4+$0xAC60] =	vst v14;
	v63 =	vmul.f32 v32, v5;
	v39 =	vsub.f32 v23, v62  }
0x188: {  	v52 =	vadd.f32 v49, v48;
	v14 =	vld [tilespmem:s21+$0xAC60];
	v47 =	vmul.f32 v32, v9;
	v29 =	vsub.f32 v29, v45  }
0x189: {  	v55 =	vmul.f32 v4, v4;
	v46 =	vmul.f32 v32, v1;
	v23 =	vld [tilespmem:s21+$0xAC30];
	v40 =	vsub.f32 v22, v63;
	[tilespmem:s4+$0x8C00] =	vst v39  }
0x18a: {  	v50 =	vmul.f32 v32, v6;
	v24 =	vsub.f32 v24, v47;
	v22 =	vld [tilespmem:s21+$0xAC70];
	[tilespmem:s4+$0x8C60] =	vst v29;
	v29 =	vadd.f32 v51, v52  }
0x18b: {  	v44 =	vmul.f32 v33, v33;
	v21 =	vsub.f32 v21, v46;
	[tilespmem:s4+$0x8C20] =	vst v40  }
0x18c: {  	v56 =	vmul.f32 v37, v37;
	v53, _, _ =	vpop (xrf2);
	v26 =	vsub.f32 v26, v50;
	[tilespmem:s4+$0x8C30] =	vst v24;
	v24 =	vadd.f32 v55, v29  }
0x18d: {  	v54 =	vmul.f32 v32, v0;
	[tilespmem:s4+$0x8C10] =	vst v21;
	v21 =	vbroadcast v53, $0xF  }
0x18e: {  	v58 =	vmul.f32 v31, v31;
	v59 =	vmul.f32 v25, v35;
	v39 =	vld [tilespmem:s21+$0xAC50];
	[tilespmem:s4+$0x8C40] =	vst v26;
	v26 =	vadd.f32 v56, v24  }
0x18f: {  	v61 =	vmul.f32 v16, v16;
	v27 =	vsub.f32 v27, v54;
	v57 =	vmul.f32 v21, v38  }
0x190: {  	v62 =	vmul.f32 v12, v34;
	v47 =	vmul.f32 v32, v3;
	v26 =	vadd.f32 v58, v26  }
0x191: {  	v46 =	vmul.f32 v30, v36;
	v21 =	vld [tilespmem:s21+$0x8C00];
	[tilespmem:s4+$0x8C50] =	vst v27;
	v38 =	vmul.f32 v57, v5  }
0x192: {  	v50 =	vmul.f32 v28, v37;
	v11 =	vsub.f32 v11, v47;
	v24 =	vld [tilespmem:s21+$0x8C20];
	v26 =	vadd.f32 v61, v26  }
0x193: {  	v27 =	vadd.f32 v62, v59;
	v5 =	vld [tilespmem:s21+$0x8C60];
	v60 =	vmul.f32 v57, v9;
	v18 =	vsub.f32 v18, v38  }
0x194: {  	v48 =	vmul.f32 v23, v4;
	v9 =	vld [tilespmem:s21+$0x8C10];
	v63 =	vmul.f32 v57, v6;
	v26 =	vadd.f32 v44, v26  }
0x195: {  	v6 =	vld [tilespmem:s21+$0x8C30];
	v45 =	vmul.f32 v57, v2;
	v19 =	vsub.f32 v19, v60;
	[tilespmem:s4+$0xCC20] =	vst v18;
	v18 =	vadd.f32 v46, v27  }
0x196: {  	v49 =	vmul.f32 v57, v1;
	v51 =	vmul.f32 v57, v3;
	v20 =	vsub.f32 v20, v63;
	(xrf2) =	vadd.scan.msk.f32 $0xffff, v26  }
0x197: {  	v52 =	vmul.f32 v57, v0;
	v2 =	vsub.f32 v10, v45;
	[tilespmem:s4+$0xCC30] =	vst v19;
	v18 =	vadd.f32 v48, v18  }
0x198: {  	v56 =	vmul.f32 v14, v16;
	v1 =	vsub.f32 v8, v49;
	v53 =	vmul.f32 v39, v31;
	v10 =	vld [tilespmem:s21+$0x8C40];
	[tilespmem:s4+$0xCC40] =	vst v20  }
0x199: {  	v54 =	vmul.f32 v21, v35;
	[tilespmem:s4+$0xCC00] =	vst v2;
	v55 =	vmul.f32 v9, v34;
	v2 =	vadd.f32 v50, v18  }
0x19a: {  	v57 =	vmul.f32 v57, v7;
	v3 =	vsub.f32 v17, v51;
	v0 =	vsub.f32 v15, v52;
	v19 =	vld [tilespmem:s21+$0x8C50];
	[tilespmem:s4+$0x8C70] =	vst v11  }
0x19b: {  	v58 =	vmul.f32 v24, v36;
	v11 =	vld [tilespmem:s21+$0xCC00];
	[tilespmem:s4+$0xCC10] =	vst v1;
	v59 =	vadd.f32 v55, v54;
	v2 =	vadd.f32 v53, v2  }
0x19c: {  	v60 =	vmul.f32 v22, v33;
	v7 =	vsub.f32 v13, v57;
	v15 =	vld [tilespmem:s21+$0xCC10];
	[tilespmem:s4+$0xCC70] =	vst v3  }
0x19d: {  	v62 =	vmul.f32 v6, v4;
	[tilespmem:s4+$0xCC50] =	vst v0;
	v8 =	vadd.f32 v58, v59;
	v61 =	vadd.f32 v56, v2  }
0x19e: {  	v2 =	vld [tilespmem:s21+$0xCC20];
	[tilespmem:s4+$0xCC60] =	vst v7  }
0x19f: {  	v63 =	vmul.f32 v10, v37;
	v1 =	vadd.f32 v62, v8;
	v7 =	vld [tilespmem:s21+$0xCC30];
	v0 =	vadd.f32 v60, v61  }
0x1a0: {  	v32 =	vmul.f32 v19, v31;
	v27 =	vmul.f32 v11, v35;
	v13 =	vld [tilespmem:s21+$0x8C70];
	v26, _, _ =	vpop (xrf2)  }
0x1a1: {  	v29 =	vmul.f32 v15, v34;
	v1 =	vadd.f32 v63, v1;
	(xrf2) =	vadd.scan.msk.f32 $0xffff, v0;
	v8 =	vmax.f32 v26, $1.000000020e-24  }
0x1a2: {  	v42 =	vmul.f32 v5, v16;
	v20 =	vld [tilespmem:s21+$0xCC40];
	v38 =	vbroadcast v8, $0xF  }
0x1a3: {  	v40 =	vadd.f32 v29, v27;
	v0 =	vadd.f32 v32, v1;
	v41 =	vmul.f32 v2, v36  }
0x1a4: {  	v44 =	vmul.f32 v7, v4;
	v26 =	vld [tilespmem:s21+$0xCC50];
	(erf) = vrcp.f32 v38  }
0x1a5: {  	v45 =	vmul.f32 v13, v33;
	v0 =	vadd.f32 v42, v0;
	v43 =	vadd.f32 v41, v40  }
0x1a6: {  	v17 =	vld [tilespmem:s21+$0xCC60]  }
0x1a7: {  	v46 =	vmul.f32 v20, v37;
	v0 =	vadd.f32 v45, v0;
	v1 =	vadd.f32 v44, v43  }
0x1a8: {  	v18 =	vld [tilespmem:s21+$0xCC70]  }
0x1a9: {  	(xrf2) =	vadd.scan.msk.f32 $0xffff, v0;
	v1 =	vadd.f32 v46, v1;
	v47 =	vmul.f32 v26, v31;
	_ =	sdelay $0x1  }
0x1aa: {  	v49 =	vmul.f32 v17, v16;
	v48 =	vadd.f32 v47, v1;
	v50, _, _ =	vpop (xrf2)  }
0x1ab: {  	v3 =	vbroadcast v50, $0xF  }
0x1ac: {  	v51 =	vmul.f32 v18, v33;
	v0 =	vadd.f32 v49, v48;
	v52 =	vpop (erf)  }
0x1ad: {  	v3 =	vmul.f32 v3, v52  }
0x1ae: {  	v0 =	vadd.f32 v51, v0  }
0x1af: {  	v53 =	vmul.f32 v3, v36  }
0x1b0: {  	(xrf2) =	vadd.scan.msk.f32 $0xffff, v0;
	v54 =	vmul.f32 v3, v35  }
0x1b1: {  	v55 =	vmul.f32 v3, v37;
	v1 =	vsub.f32 v30, v53  }
0x1b2: {  	v57, _, _ =	vpop (xrf2);
	v56 =	vmul.f32 v3, v31;
	v0 =	vsub.f32 v25, v54  }
0x1b3: {  	v60 =	vbroadcast v57, $0xF;
	v58 =	vmul.f32 v3, v4;
	v59 =	vsub.f32 v28, v55;
	[tilespmem:s21+$0xAC20] =	vst v1  }
0x1b4: {  	v62 =	vmul.f32 v3, v33;
	v63 =	vmul.f32 v3, v34;
	v61 =	vsub.f32 v39, v56;
	[tilespmem:s21+$0xAC00] =	vst v0  }
0x1b5: {  	v3 =	vmul.f32 v3, v16;
	v27 =	vmul.f32 v60, v52;
	v23 =	vsub.f32 v23, v58;
	[tilespmem:s21+$0xAC40] =	vst v59  }
0x1b6: {  	v30 =	vsub.f32 v22, v62;
	[tilespmem:s21+$0xAC50] =	vst v61  }
0x1b7: {  	v38 =	vsub.f32 v14, v3;
	v32 =	vmul.f32 v27, v35;
	[tilespmem:s21+$0xAC30] =	vst v23  }
0x1b8: {  	v39 =	vmul.f32 v27, v36;
	v1 =	vsub.f32 v12, v63;
	[tilespmem:s21+$0xAC70] =	vst v30  }
0x1b9: {  	v42 =	vmul.f32 v27, v34;
	[tilespmem:s21+$0xAC60] =	vst v38;
	v12 =	vsub.f32 v21, v32  }
0x1ba: {  	v45 =	vmul.f32 v27, v4;
	v43 =	vsub.f32 v24, v39;
	[tilespmem:s21+$0xAC10] =	vst v1;
	v41, _, _ =	vpop (xrf2)  }
0x1bb: {  	v47 =	vmul.f32 v27, v37;
	v46 =	vsub.f32 v9, v42;
	[tilespmem:s21+$0x8C00] =	vst v12;
	v44 =	vbroadcast v41, $0xF  }
0x1bc: {  	v50 =	vmul.f32 v27, v31;
	v49 =	vsub.f32 v6, v45;
	[tilespmem:s21+$0x8C20] =	vst v43  }
0x1bd: {  	v57 =	vmul.f32 v27, v33;
	v51 =	vsub.f32 v10, v47;
	[tilespmem:s21+$0x8C10] =	vst v46;
	v48 =	vmul.f32 v44, v52  }
0x1be: {  	v40 =	vmul.f32 v27, v16;
	v53 =	vsub.f32 v19, v50;
	[tilespmem:s21+$0x8C30] =	vst v49  }
0x1bf: {  	v60 =	vsub.f32 v13, v57;
	[tilespmem:s21+$0x8C40] =	vst v51;
	v52 =	vmul.f32 v48, v36  }
0x1c0: {  	v1 =	vsub.f32 v5, v40;
	[tilespmem:s21+$0x8C50] =	vst v53;
	v54 =	vmul.f32 v48, v4  }
0x1c1: {  	[tilespmem:s21+$0x8C70] =	vst v60;
	v55 =	vmul.f32 v48, v37;
	v2 =	vsub.f32 v2, v52  }
0x1c2: {  	[tilespmem:s21+$0x8C60] =	vst v1;
	v56 =	vmul.f32 v48, v35;
	v4 =	vsub.f32 v7, v54  }
0x1c3: {  	v59 =	vmul.f32 v48, v33;
	v1 =	vsub.f32 v20, v55;
	[tilespmem:s21+$0xCC20] =	vst v2  }
0x1c4: {  	v61 =	vmul.f32 v48, v31;
	v3 =	vsub.f32 v11, v56;
	[tilespmem:s21+$0xCC30] =	vst v4  }
0x1c5: {  	v0 =	vmul.f32 v48, v16;
	v62 =	vsub.f32 v18, v59;
	[tilespmem:s21+$0xCC40] =	vst v1  }
0x1c6: {  	v58 =	vmul.f32 v48, v34;
	v63 =	vsub.f32 v26, v61;
	[tilespmem:s21+$0xCC00] =	vst v3  }
0x1c7: {  	v0 =	vsub.f32 v17, v0;
	[tilespmem:s21+$0xCC70] =	vst v62  }
0x1c8: {  	s15 =	sshll.u32 s31, $0xA;
	v2 =	vsub.f32 v15, v58;
	[tilespmem:s21+$0xCC50] =	vst v63  }
0x1c9: {  	s4 =	sadd.s32 s12, s15;
	[tilespmem:s21+$0xCC60] =	vst v0  }
0x1ca: {  	p0 =	sne.s32 s2, $0x4;
	s9 =	sadd.s32 s5, s4;
	[tilespmem:s21+$0xCC10] =	vst v2  }
0x1cb: {  	[hbm4b:s9+s8] =	stream.linear.scatter [tilespmem:s22], [sflag:$0x4], $0x2000, $0x38;
	[tilespmem:$0x10C00] =	vst v63  }
.Ltmp2:
0x1cc: {  	_ = 	snop;
	(pc) =	sbr.rel @p0 .LBB2_2-.Ltmp2, $4  }
0x1cd: {  	s31 =	sadd.s32 s6, s4  }
0x1ce: {  	[hbm4b:s31+s8] =	stream.linear.scatter [tilespmem:s23], [sflag:$0x4], $0x2000, $0x38;
	[tilespmem:$0x10C00] =	vst v63  }
0x1cf: {  	s4 =	sadd.s32 s7, s4  }
0x1d0: {  	[hbm4b:s4+s8] =	stream.linear.scatter [tilespmem:s24], [sflag:$0x4], $0x2000, $0x38;
	[tilespmem:$0x10C00] =	vst v63  }
0x1d1: {  	_ =	swait.ge [sflag:s28], $0x2000  }
0x1d2: {  	[sflag:s28] =	ssyncset.done $0x0  }
0x1d3: {  	[sflag:s28] =	ssyncadd.s32 $0xFFFFE000  }
0x1d4: {  	_ =	swait.ge [sflag:s28], $0x2000  }
0x1d5: {  	[sflag:s28] =	ssyncset.done $0x0  }
0x1d6: {  	[sflag:s28] =	ssyncadd.s32 $0xFFFFE000  }
0x1d7: {  	_ =	swait.ge [sflag:s28], $0x2000  }
0x1d8: {  	[sflag:s28] =	ssyncset.done $0x0  }
0x1d9: {  	[sflag:s28] =	ssyncadd.s32 $0xFFFFE000  }
0x1da: {  	_ =	swait.ge [sflag:s29], $0x2000  }
0x1db: {  	[sflag:s29] =	ssyncset.done $0x0  }
0x1dc: {  	s30 =	sadd.s32 $0x1, s30;
	[sflag:s29] =	ssyncadd.s32 $0xFFFFE000  }
0x1dd: {  	p0 =	sne.s32 s30, s13;
	_ =	swait.ge [sflag:s29], $0x2000  }
.Ltmp3:
0x1de: {  	[sflag:s29] =	ssyncset.done $0x0;
	(pc) =	sbr.rel @p0 .LBB2_1-.Ltmp3, $4  }
0x1df: {  	[sflag:s29] =	ssyncadd.s32 $0xFFFFE000  }
0x1e0: {  	_ =	swait.ge [sflag:s29], $0x2000  }
0x1e1: {  	[sflag:s29] =	ssyncset.done $0x0  }
0x1e2: {  	[sflag:s29] =	ssyncadd.s32 $0xFFFFE000  }
0x1e3: {  	_ =	sfence.sel $0x180000  }
0x1e4: {  	[bflag:$0x0] =	sbarrier.arrive $0xFFFF  }
0x1e5: {  	_ =	strace $0x90000047  }
0x1e6: {  	s0 =	stileid.u32;
	[bflag:$0x2] =	sbarrier.arrive $0xFFFF  }
0x1e7: {  	p0 =	sne.s32 s0, $0x0;
	s0 =	rddreg [dreg:$0x7]  }
0x1e8: {  	s0 =	sadd.s32 @!p0 $0x100000, s0  }
0x1e9: {  	[sflag:s0] =	ssyncadd.tile.s32 @!p0 $0x1;
	_ =	shalt  }
.Lfunc_end2:
_tile_overlayer_lowered:
.L_overlay_start_2:
0x1ea: {  	(tag) =	ssettag $0x2  }
0x1eb: {  	s0 =	rddreg [dreg:$0x0];
	s2 =	stileid.u32  }
0x1ec: {  	s1 =	rddreg [dreg:$0x1];
	p0 =	sne.s32 s2, $0x0  }
0x1ed: {  	s3 =	rddreg [dreg:$0x2];
	[bflag:$0x3] =	sbarrier.arrive $0xFFFF;
	s2 =	simm.s32 @!p0 $0x1C05  }
0x1ee: {  	[timem:s3], [sflag:s2] =	dma.local @!p0 [hbm:s0], s1  }
0x1ef: {  	s0 =	simm.s32 @!p0 $0x5  }
0x1f0: {  	_ =	swait.ge @!p0 [sflag:s0], s1  }
0x1f1: {  	s1 =	ssub.s32 @!p0 $0x0, s1;
	[sflag:s0] =	ssyncset.done @!p0 $0x0  }
0x1f2: {  	[sflag:s0] =	ssyncadd.s32 @!p0 s1  }
0x1f3: {  	[bflag:$0x3] =	sbarrier.arrive $0xFFFF  }
0x1f4: {  	_ =	shalt  }

</sc_bundles>
